<compile_context>
chip_gen: v7x
topology: tpu7x:2x2x1
jax: 0.10.2.dev20260603
libtpu: 0.0.44.dev20260713+nightly
codegen_flags: <defaults>
</compile_context>

<pallas_src>
import functools

import jax
import jax.numpy as jnp
from jax import lax
from jax.experimental import pallas as pl
from jax.experimental.pallas import tpu as pltpu
from jax.experimental.pallas import tpu_sc as plsc

HID = 128
NROWS = 100
E_TOTAL = 320000
NUM_CORES = 2
NUM_SUBCORES = 16
NW = NUM_CORES * NUM_SUBCORES
B_PER_W = E_TOTAL // NW
CHUNK = 40
NB = 10
NCHUNK = B_PER_W // CHUNK
NROUND = NCHUNK // NB

_mesh = plsc.VectorSubcoreMesh(core_axis_name="c", subcore_axis_name="s")


@functools.partial(
    pl.kernel,
    mesh=_mesh,
    out_type=jax.ShapeDtypeStruct((E_TOTAL, HID), jnp.float32),
    scratch_types=[
        pltpu.VMEM((B_PER_W,), jnp.int32),
        pltpu.VMEM_SHARED((NROWS, HID), jnp.float32),
    ] + [pltpu.VMEM((CHUNK, HID), jnp.float32)] * NB
      + [pltpu.SemaphoreType.DMA] * (2 * NB + 1),
)
def _emb_gather(idx_hbm, table_hbm, out_hbm, idx_all, table_v, *rest):
    bufs = rest[:NB]
    gsems = rest[NB:2 * NB]
    ssems = rest[2 * NB:3 * NB]
    isem = rest[3 * NB]
    wid = lax.axis_index("s") * NUM_CORES + lax.axis_index("c")
    base = wid * B_PER_W

    sid = lax.axis_index("s")

    idx_copy = pltpu.make_async_copy(
        idx_hbm.at[pl.ds(base, B_PER_W)], idx_all, isem)
    idx_copy.start()

    @pl.when(sid == 0)
    def _():
        pltpu.sync_copy(table_hbm, table_v)

    idx_copy.wait()
    plsc.subcore_barrier()

    def gather_desc(c, p):
        return pltpu.make_async_copy(
            table_v.at[idx_all.at[pl.ds(c * CHUNK, CHUNK)]],
            bufs[p], gsems[p])

    def store_desc(c, p):
        return pltpu.make_async_copy(
            bufs[p], out_hbm.at[pl.ds(base + c * CHUNK, CHUNK)], ssems[p])

    def round_body(r, carry):
        for p in range(NB):
            c = r * NB + p

            @pl.when(r > 0)
            def _(c=c, p=p):
                store_desc(c - NB, p).wait()

            gather_desc(c, p).start()
        for p in range(NB):
            c = r * NB + p
            gather_desc(c, p).wait()
            store_desc(c, p).start()
        return carry

    lax.fori_loop(0, NROUND, round_body, 0)

    for p in range(NB):
        store_desc(0, p).wait()


def kernel(edge_attr, table):
    return _emb_gather(edge_attr.astype(jnp.int32), table)

# --- scband reference (transcript-rebuilt; emitter-appended) ---
"""Pipeline reference for scband-bond-encoder-14989435863725 (READ-ONLY COPY).

The authoritative reference and input builder live on the scoring server;
editing this copy changes nothing except your own understanding.
"""

import jax, jax.numpy as jnp
import numpy as np

HID_DIM = 128
NUM_EMB = 100
E = 320000

def setup_inputs(seed: int = 0) -> dict:
    key = jax.random.key(seed)
    k1, k2 = jax.random.split(key)
    edge_attr = jax.random.randint(k1, (E,), 0, NUM_EMB, dtype=jnp.int64 if jax.config.jax_enable_x64 else jnp.int32)
    # nn.Embedding default init: N(0, 1)
    table = jax.random.normal(k2, (NUM_EMB, HID_DIM), dtype=jnp.float32)
    return {"edge_attr": edge_attr, "table": table}

def reference(edge_attr, table):
    # Bond_encoder.forward: batch.edge_attr = self.encoder(batch.edge_attr)
    out = jnp.take(table, edge_attr, axis=0)
    return out

if __name__ == "__main__":
    import jax
    _d = setup_inputs()
    print(jax.jit(kernel)(*tuple(_d.values())))

</pallas_src>

<mosaic_0001>
#map = affine_map<(d0, d1) -> (0)>
#map1 = affine_map<(d0, d1) -> (0, 0)>
module attributes {stable_mosaic.version = 14 : i64} {
  func.func @_emb_gather(%arg0: i32, %arg1: i32, %arg2: memref<320000xi32, #tpu.memory_space<hbm>>, %arg3: memref<100x128xf32, #tpu.memory_space<hbm>>, %arg4: memref<320000x128xf32, #tpu.memory_space<hbm>>, %arg5: memref<10000xi32, #tpu.memory_space<vmem>>, %arg6: memref<100x128xf32, #tpu.memory_space<vmem_shared>>, %arg7: memref<40x128xf32, #tpu.memory_space<vmem>>, %arg8: memref<40x128xf32, #tpu.memory_space<vmem>>, %arg9: memref<40x128xf32, #tpu.memory_space<vmem>>, %arg10: memref<40x128xf32, #tpu.memory_space<vmem>>, %arg11: memref<40x128xf32, #tpu.memory_space<vmem>>, %arg12: memref<40x128xf32, #tpu.memory_space<vmem>>, %arg13: memref<40x128xf32, #tpu.memory_space<vmem>>, %arg14: memref<40x128xf32, #tpu.memory_space<vmem>>, %arg15: memref<40x128xf32, #tpu.memory_space<vmem>>, %arg16: memref<40x128xf32, #tpu.memory_space<vmem>>, %arg17: memref<!tpu.dma_semaphore, #tpu.memory_space<semaphore_mem>>, %arg18: memref<!tpu.dma_semaphore, #tpu.memory_space<semaphore_mem>>, %arg19: memref<!tpu.dma_semaphore, #tpu.memory_space<semaphore_mem>>, %arg20: memref<!tpu.dma_semaphore, #tpu.memory_space<semaphore_mem>>, %arg21: memref<!tpu.dma_semaphore, #tpu.memory_space<semaphore_mem>>, %arg22: memref<!tpu.dma_semaphore, #tpu.memory_space<semaphore_mem>>, %arg23: memref<!tpu.dma_semaphore, #tpu.memory_space<semaphore_mem>>, %arg24: memref<!tpu.dma_semaphore, #tpu.memory_space<semaphore_mem>>, %arg25: memref<!tpu.dma_semaphore, #tpu.memory_space<semaphore_mem>>, %arg26: memref<!tpu.dma_semaphore, #tpu.memory_space<semaphore_mem>>, %arg27: memref<!tpu.dma_semaphore, #tpu.memory_space<semaphore_mem>>, %arg28: memref<!tpu.dma_semaphore, #tpu.memory_space<semaphore_mem>>, %arg29: memref<!tpu.dma_semaphore, #tpu.memory_space<semaphore_mem>>, %arg30: memref<!tpu.dma_semaphore, #tpu.memory_space<semaphore_mem>>, %arg31: memref<!tpu.dma_semaphore, #tpu.memory_space<semaphore_mem>>, %arg32: memref<!tpu.dma_semaphore, #tpu.memory_space<semaphore_mem>>, %arg33: memref<!tpu.dma_semaphore, #tpu.memory_space<semaphore_mem>>, %arg34: memref<!tpu.dma_semaphore, #tpu.memory_space<semaphore_mem>>, %arg35: memref<!tpu.dma_semaphore, #tpu.memory_space<semaphore_mem>>, %arg36: memref<!tpu.dma_semaphore, #tpu.memory_space<semaphore_mem>>, %arg37: memref<!tpu.dma_semaphore, #tpu.memory_space<semaphore_mem>>) attributes {dimension_semantics = [#tpu.dimension_semantics<core_parallel>, #tpu.dimension_semantics<subcore_parallel>], iteration_bounds = array<i64: 2, 16>, scalar_prefetch = 0 : i64, scratch_operands = 33 : i64, tpu.core_type = #tpu.core_type<sc_vector_subcore>, window_params = [{transform_indices = #map}, {transform_indices = #map1}, {transform_indices = #map1}]} {
    %mul3A = arith.constant 2 : i32
    %mul3A_0 = arith.muli %arg1, %mul3A : i32
    %add3A = arith.addi %mul3A_0, %arg0 : i32
    %mul3A_1 = arith.constant 10000 : i32
    %mul3A_2 = arith.muli %add3A, %mul3A_1 : i32
    %dma_start3A = tpu.memref_slice %arg2[%mul3A_2] : memref<320000xi32, #tpu.memory_space<hbm>> -> memref<10000xi32, #tpu.memory_space<hbm>>
    %dma_start3A_3 = tpu.memref_slice %arg2[%mul3A_2] : memref<320000xi32, #tpu.memory_space<hbm>> -> memref<10000xi32, #tpu.memory_space<hbm>>
    tpu.enqueue_dma source(%dma_start3A_3 : memref<10000xi32, #tpu.memory_space<hbm>>) target(%arg5 : memref<10000xi32, #tpu.memory_space<vmem>>) target_semaphore(%arg37 : memref<!tpu.dma_semaphore, #tpu.memory_space<semaphore_mem>>)
    %eq3A = arith.constant 0 : i32
    %eq3A_4 = arith.cmpi eq, %arg1, %eq3A : i32
    %convert_element_type3A = arith.extui %eq3A_4 : i1 to i32
    %cond3A = arith.constant 0 : i32
    %cond3A_5 = arith.cmpi ne, %convert_element_type3A, %cond3A : i32
    scf.if %cond3A_5 {
      "tpu.region"() ({
        %run_scoped3A = tpu.sem_alloc : memref<!tpu.dma_semaphore, #tpu.memory_space<semaphore_mem>>
        tpu.enqueue_dma source(%arg3 : memref<100x128xf32, #tpu.memory_space<hbm>>) target(%arg6 : memref<100x128xf32, #tpu.memory_space<vmem_shared>>) target_semaphore(%run_scoped3A : memref<!tpu.dma_semaphore, #tpu.memory_space<semaphore_mem>>)
        tpu.wait_dma2 semaphore(%run_scoped3A : memref<!tpu.dma_semaphore, #tpu.memory_space<semaphore_mem>>) src(%arg3 : memref<100x128xf32, #tpu.memory_space<hbm>>) dst(%arg6 : memref<100x128xf32, #tpu.memory_space<vmem_shared>>)
        tpu.yield
      }) : () -> ()
    } else {
    }
    %dma_wait3A = tpu.memref_slice %arg2[%mul3A_2] : memref<320000xi32, #tpu.memory_space<hbm>> -> memref<10000xi32, #tpu.memory_space<hbm>>
    %dma_wait3A_6 = tpu.memref_slice %arg2[%mul3A_2] : memref<320000xi32, #tpu.memory_space<hbm>> -> memref<10000xi32, #tpu.memory_space<hbm>>
    tpu.wait_dma2 semaphore(%arg37 : memref<!tpu.dma_semaphore, #tpu.memory_space<semaphore_mem>>) src(%dma_wait3A_6 : memref<10000xi32, #tpu.memory_space<hbm>>) dst(%arg5 : memref<10000xi32, #tpu.memory_space<vmem>>)
    %barrier3A = arith.constant 0 : index
    tpu.barrier barrier_id(%barrier3A)
    %scan3A = arith.constant 0 : i32
    %scan3A_7 = arith.constant 0 : i32
    %scan3A_8 = arith.constant 25 : i32
    %scan3A_9 = arith.addi %scan3A_7, %scan3A_8 : i32
    %scan3A_10 = arith.constant 1 : i32
    scf.for %scan3A_72 = %scan3A_7 to %scan3A_9 step %scan3A_10  : i32 {
      %mul3A_73 = arith.constant 10 : i32
      %mul3A_74 = arith.muli %scan3A_72, %mul3A_73 : i32
      %add3A_75 = arith.constant 0 : i32
      %add3A_76 = arith.addi %mul3A_74, %add3A_75 : i32
      %gt3A = arith.constant 0 : i32
      %gt3A_77 = arith.cmpi sgt, %scan3A_72, %gt3A : i32
      %convert_element_type3A_78 = arith.extui %gt3A_77 : i1 to i32
      %cond3A_79 = arith.constant 0 : i32
      %cond3A_80 = arith.cmpi ne, %convert_element_type3A_78, %cond3A_79 : i32
      scf.if %cond3A_80 {
        %sub3A = arith.constant 10 : i32
        %sub3A_392 = arith.subi %add3A_76, %sub3A : i32
        %mul3A_393 = arith.constant 40 : i32
        %mul3A_394 = arith.muli %sub3A_392, %mul3A_393 : i32
        %add3A_395 = arith.addi %mul3A_2, %mul3A_394 : i32
        %dma_wait3A_396 = arith.constant 0 : i32
        %dma_wait3A_397 = tpu.memref_slice %arg4[%add3A_395, %dma_wait3A_396] : memref<320000x128xf32, #tpu.memory_space<hbm>> -> memref<40x128xf32, #tpu.memory_space<hbm>>
        %dma_wait3A_398 = arith.constant 0 : i32
        %dma_wait3A_399 = tpu.memref_slice %arg4[%add3A_395, %dma_wait3A_398] : memref<320000x128xf32, #tpu.memory_space<hbm>> -> memref<40x128xf32, #tpu.memory_space<hbm>>
        tpu.wait_dma2 semaphore(%arg27 : memref<!tpu.dma_semaphore, #tpu.memory_space<semaphore_mem>>) src(%arg7 : memref<40x128xf32, #tpu.memory_space<vmem>>) dst(%dma_wait3A_399 : memref<40x128xf32, #tpu.memory_space<hbm>>)
      } else {
      }
      %mul3A_81 = arith.constant 40 : i32
      %mul3A_82 = arith.muli %add3A_76, %mul3A_81 : i32
      %dma_start3A_83 = tpu.memref_slice %arg5[%mul3A_82] : memref<10000xi32, #tpu.memory_space<vmem>> -> memref<40xi32, #tpu.memory_space<vmem>>
      %dma_start3A_84 = arith.constant 0 : i32
      %dma_start3A_85 = arith.constant 0 : i32
      %dma_start3A_86 = tpu.memref_slice %arg6[%dma_start3A_84, %dma_start3A_85] : memref<100x128xf32, #tpu.memory_space<vmem_shared>> -> memref<100x128xf32, #tpu.memory_space<vmem_shared>>
      tpu.enqueue_indirect_dma source(%dma_start3A_86 : memref<100x128xf32, #tpu.memory_space<vmem_shared>>) target(%arg7 : memref<40x128xf32, #tpu.memory_space<vmem>>) offsets(%dma_start3A_83 : memref<40xi32, #tpu.memory_space<vmem>>) semaphore(%arg17 : memref<!tpu.dma_semaphore, #tpu.memory_space<semaphore_mem>>)
      %mul3A_87 = arith.constant 10 : i32
      %mul3A_88 = arith.muli %scan3A_72, %mul3A_87 : i32
      %add3A_89 = arith.constant 1 : i32
      %add3A_90 = arith.addi %mul3A_88, %add3A_89 : i32
      %gt3A_91 = arith.constant 0 : i32
      %gt3A_92 = arith.cmpi sgt, %scan3A_72, %gt3A_91 : i32
      %convert_element_type3A_93 = arith.extui %gt3A_92 : i1 to i32
      %cond3A_94 = arith.constant 0 : i32
      %cond3A_95 = arith.cmpi ne, %convert_element_type3A_93, %cond3A_94 : i32
      scf.if %cond3A_95 {
        %sub3A = arith.constant 10 : i32
        %sub3A_392 = arith.subi %add3A_90, %sub3A : i32
        %mul3A_393 = arith.constant 40 : i32
        %mul3A_394 = arith.muli %sub3A_392, %mul3A_393 : i32
        %add3A_395 = arith.addi %mul3A_2, %mul3A_394 : i32
        %dma_wait3A_396 = arith.constant 0 : i32
        %dma_wait3A_397 = tpu.memref_slice %arg4[%add3A_395, %dma_wait3A_396] : memref<320000x128xf32, #tpu.memory_space<hbm>> -> memref<40x128xf32, #tpu.memory_space<hbm>>
        %dma_wait3A_398 = arith.constant 0 : i32
        %dma_wait3A_399 = tpu.memref_slice %arg4[%add3A_395, %dma_wait3A_398] : memref<320000x128xf32, #tpu.memory_space<hbm>> -> memref<40x128xf32, #tpu.memory_space<hbm>>
        tpu.wait_dma2 semaphore(%arg28 : memref<!tpu.dma_semaphore, #tpu.memory_space<semaphore_mem>>) src(%arg8 : memref<40x128xf32, #tpu.memory_space<vmem>>) dst(%dma_wait3A_399 : memref<40x128xf32, #tpu.memory_space<hbm>>)
      } else {
      }
      %mul3A_96 = arith.constant 40 : i32
      %mul3A_97 = arith.muli %add3A_90, %mul3A_96 : i32
      %dma_start3A_98 = tpu.memref_slice %arg5[%mul3A_97] : memref<10000xi32, #tpu.memory_space<vmem>> -> memref<40xi32, #tpu.memory_space<vmem>>
      %dma_start3A_99 = arith.constant 0 : i32
      %dma_start3A_100 = arith.constant 0 : i32
      %dma_start3A_101 = tpu.memref_slice %arg6[%dma_start3A_99, %dma_start3A_100] : memref<100x128xf32, #tpu.memory_space<vmem_shared>> -> memref<100x128xf32, #tpu.memory_space<vmem_shared>>
      tpu.enqueue_indirect_dma source(%dma_start3A_101 : memref<100x128xf32, #tpu.memory_space<vmem_shared>>) target(%arg8 : memref<40x128xf32, #tpu.memory_space<vmem>>) offsets(%dma_start3A_98 : memref<40xi32, #tpu.memory_space<vmem>>) semaphore(%arg18 : memref<!tpu.dma_semaphore, #tpu.memory_space<semaphore_mem>>)
      %mul3A_102 = arith.constant 10 : i32
      %mul3A_103 = arith.muli %scan3A_72, %mul3A_102 : i32
      %add3A_104 = arith.constant 2 : i32
      %add3A_105 = arith.addi %mul3A_103, %add3A_104 : i32
      %gt3A_106 = arith.constant 0 : i32
      %gt3A_107 = arith.cmpi sgt, %scan3A_72, %gt3A_106 : i32
      %convert_element_type3A_108 = arith.extui %gt3A_107 : i1 to i32
      %cond3A_109 = arith.constant 0 : i32
      %cond3A_110 = arith.cmpi ne, %convert_element_type3A_108, %cond3A_109 : i32
      scf.if %cond3A_110 {
        %sub3A = arith.constant 10 : i32
        %sub3A_392 = arith.subi %add3A_105, %sub3A : i32
        %mul3A_393 = arith.constant 40 : i32
        %mul3A_394 = arith.muli %sub3A_392, %mul3A_393 : i32
        %add3A_395 = arith.addi %mul3A_2, %mul3A_394 : i32
        %dma_wait3A_396 = arith.constant 0 : i32
        %dma_wait3A_397 = tpu.memref_slice %arg4[%add3A_395, %dma_wait3A_396] : memref<320000x128xf32, #tpu.memory_space<hbm>> -> memref<40x128xf32, #tpu.memory_space<hbm>>
        %dma_wait3A_398 = arith.constant 0 : i32
        %dma_wait3A_399 = tpu.memref_slice %arg4[%add3A_395, %dma_wait3A_398] : memref<320000x128xf32, #tpu.memory_space<hbm>> -> memref<40x128xf32, #tpu.memory_space<hbm>>
        tpu.wait_dma2 semaphore(%arg29 : memref<!tpu.dma_semaphore, #tpu.memory_space<semaphore_mem>>) src(%arg9 : memref<40x128xf32, #tpu.memory_space<vmem>>) dst(%dma_wait3A_399 : memref<40x128xf32, #tpu.memory_space<hbm>>)
      } else {
      }
      %mul3A_111 = arith.constant 40 : i32
      %mul3A_112 = arith.muli %add3A_105, %mul3A_111 : i32
      %dma_start3A_113 = tpu.memref_slice %arg5[%mul3A_112] : memref<10000xi32, #tpu.memory_space<vmem>> -> memref<40xi32, #tpu.memory_space<vmem>>
      %dma_start3A_114 = arith.constant 0 : i32
      %dma_start3A_115 = arith.constant 0 : i32
      %dma_start3A_116 = tpu.memref_slice %arg6[%dma_start3A_114, %dma_start3A_115] : memref<100x128xf32, #tpu.memory_space<vmem_shared>> -> memref<100x128xf32, #tpu.memory_space<vmem_shared>>
      tpu.enqueue_indirect_dma source(%dma_start3A_116 : memref<100x128xf32, #tpu.memory_space<vmem_shared>>) target(%arg9 : memref<40x128xf32, #tpu.memory_space<vmem>>) offsets(%dma_start3A_113 : memref<40xi32, #tpu.memory_space<vmem>>) semaphore(%arg19 : memref<!tpu.dma_semaphore, #tpu.memory_space<semaphore_mem>>)
      %mul3A_117 = arith.constant 10 : i32
      %mul3A_118 = arith.muli %scan3A_72, %mul3A_117 : i32
      %add3A_119 = arith.constant 3 : i32
      %add3A_120 = arith.addi %mul3A_118, %add3A_119 : i32
      %gt3A_121 = arith.constant 0 : i32
      %gt3A_122 = arith.cmpi sgt, %scan3A_72, %gt3A_121 : i32
      %convert_element_type3A_123 = arith.extui %gt3A_122 : i1 to i32
      %cond3A_124 = arith.constant 0 : i32
      %cond3A_125 = arith.cmpi ne, %convert_element_type3A_123, %cond3A_124 : i32
      scf.if %cond3A_125 {
        %sub3A = arith.constant 10 : i32
        %sub3A_392 = arith.subi %add3A_120, %sub3A : i32
        %mul3A_393 = arith.constant 40 : i32
        %mul3A_394 = arith.muli %sub3A_392, %mul3A_393 : i32
        %add3A_395 = arith.addi %mul3A_2, %mul3A_394 : i32
        %dma_wait3A_396 = arith.constant 0 : i32
        %dma_wait3A_397 = tpu.memref_slice %arg4[%add3A_395, %dma_wait3A_396] : memref<320000x128xf32, #tpu.memory_space<hbm>> -> memref<40x128xf32, #tpu.memory_space<hbm>>
        %dma_wait3A_398 = arith.constant 0 : i32
        %dma_wait3A_399 = tpu.memref_slice %arg4[%add3A_395, %dma_wait3A_398] : memref<320000x128xf32, #tpu.memory_space<hbm>> -> memref<40x128xf32, #tpu.memory_space<hbm>>
        tpu.wait_dma2 semaphore(%arg30 : memref<!tpu.dma_semaphore, #tpu.memory_space<semaphore_mem>>) src(%arg10 : memref<40x128xf32, #tpu.memory_space<vmem>>) dst(%dma_wait3A_399 : memref<40x128xf32, #tpu.memory_space<hbm>>)
      } else {
      }
      %mul3A_126 = arith.constant 40 : i32
      %mul3A_127 = arith.muli %add3A_120, %mul3A_126 : i32
      %dma_start3A_128 = tpu.memref_slice %arg5[%mul3A_127] : memref<10000xi32, #tpu.memory_space<vmem>> -> memref<40xi32, #tpu.memory_space<vmem>>
      %dma_start3A_129 = arith.constant 0 : i32
      %dma_start3A_130 = arith.constant 0 : i32
      %dma_start3A_131 = tpu.memref_slice %arg6[%dma_start3A_129, %dma_start3A_130] : memref<100x128xf32, #tpu.memory_space<vmem_shared>> -> memref<100x128xf32, #tpu.memory_space<vmem_shared>>
      tpu.enqueue_indirect_dma source(%dma_start3A_131 : memref<100x128xf32, #tpu.memory_space<vmem_shared>>) target(%arg10 : memref<40x128xf32, #tpu.memory_space<vmem>>) offsets(%dma_start3A_128 : memref<40xi32, #tpu.memory_space<vmem>>) semaphore(%arg20 : memref<!tpu.dma_semaphore, #tpu.memory_space<semaphore_mem>>)
      %mul3A_132 = arith.constant 10 : i32
      %mul3A_133 = arith.muli %scan3A_72, %mul3A_132 : i32
      %add3A_134 = arith.constant 4 : i32
      %add3A_135 = arith.addi %mul3A_133, %add3A_134 : i32
      %gt3A_136 = arith.constant 0 : i32
      %gt3A_137 = arith.cmpi sgt, %scan3A_72, %gt3A_136 : i32
      %convert_element_type3A_138 = arith.extui %gt3A_137 : i1 to i32
      %cond3A_139 = arith.constant 0 : i32
      %cond3A_140 = arith.cmpi ne, %convert_element_type3A_138, %cond3A_139 : i32
      scf.if %cond3A_140 {
        %sub3A = arith.constant 10 : i32
        %sub3A_392 = arith.subi %add3A_135, %sub3A : i32
        %mul3A_393 = arith.constant 40 : i32
        %mul3A_394 = arith.muli %sub3A_392, %mul3A_393 : i32
        %add3A_395 = arith.addi %mul3A_2, %mul3A_394 : i32
        %dma_wait3A_396 = arith.constant 0 : i32
        %dma_wait3A_397 = tpu.memref_slice %arg4[%add3A_395, %dma_wait3A_396] : memref<320000x128xf32, #tpu.memory_space<hbm>> -> memref<40x128xf32, #tpu.memory_space<hbm>>
        %dma_wait3A_398 = arith.constant 0 : i32
        %dma_wait3A_399 = tpu.memref_slice %arg4[%add3A_395, %dma_wait3A_398] : memref<320000x128xf32, #tpu.memory_space<hbm>> -> memref<40x128xf32, #tpu.memory_space<hbm>>
        tpu.wait_dma2 semaphore(%arg31 : memref<!tpu.dma_semaphore, #tpu.memory_space<semaphore_mem>>) src(%arg11 : memref<40x128xf32, #tpu.memory_space<vmem>>) dst(%dma_wait3A_399 : memref<40x128xf32, #tpu.memory_space<hbm>>)
      } else {
      }
      %mul3A_141 = arith.constant 40 : i32
      %mul3A_142 = arith.muli %add3A_135, %mul3A_141 : i32
      %dma_start3A_143 = tpu.memref_slice %arg5[%mul3A_142] : memref<10000xi32, #tpu.memory_space<vmem>> -> memref<40xi32, #tpu.memory_space<vmem>>
      %dma_start3A_144 = arith.constant 0 : i32
      %dma_start3A_145 = arith.constant 0 : i32
      %dma_start3A_146 = tpu.memref_slice %arg6[%dma_start3A_144, %dma_start3A_145] : memref<100x128xf32, #tpu.memory_space<vmem_shared>> -> memref<100x128xf32, #tpu.memory_space<vmem_shared>>
      tpu.enqueue_indirect_dma source(%dma_start3A_146 : memref<100x128xf32, #tpu.memory_space<vmem_shared>>) target(%arg11 : memref<40x128xf32, #tpu.memory_space<vmem>>) offsets(%dma_start3A_143 : memref<40xi32, #tpu.memory_space<vmem>>) semaphore(%arg21 : memref<!tpu.dma_semaphore, #tpu.memory_space<semaphore_mem>>)
      %mul3A_147 = arith.constant 10 : i32
      %mul3A_148 = arith.muli %scan3A_72, %mul3A_147 : i32
      %add3A_149 = arith.constant 5 : i32
      %add3A_150 = arith.addi %mul3A_148, %add3A_149 : i32
      %gt3A_151 = arith.constant 0 : i32
      %gt3A_152 = arith.cmpi sgt, %scan3A_72, %gt3A_151 : i32
      %convert_element_type3A_153 = arith.extui %gt3A_152 : i1 to i32
      %cond3A_154 = arith.constant 0 : i32
      %cond3A_155 = arith.cmpi ne, %convert_element_type3A_153, %cond3A_154 : i32
      scf.if %cond3A_155 {
        %sub3A = arith.constant 10 : i32
        %sub3A_392 = arith.subi %add3A_150, %sub3A : i32
        %mul3A_393 = arith.constant 40 : i32
        %mul3A_394 = arith.muli %sub3A_392, %mul3A_393 : i32
        %add3A_395 = arith.addi %mul3A_2, %mul3A_394 : i32
        %dma_wait3A_396 = arith.constant 0 : i32
        %dma_wait3A_397 = tpu.memref_slice %arg4[%add3A_395, %dma_wait3A_396] : memref<320000x128xf32, #tpu.memory_space<hbm>> -> memref<40x128xf32, #tpu.memory_space<hbm>>
        %dma_wait3A_398 = arith.constant 0 : i32
        %dma_wait3A_399 = tpu.memref_slice %arg4[%add3A_395, %dma_wait3A_398] : memref<320000x128xf32, #tpu.memory_space<hbm>> -> memref<40x128xf32, #tpu.memory_space<hbm>>
        tpu.wait_dma2 semaphore(%arg32 : memref<!tpu.dma_semaphore, #tpu.memory_space<semaphore_mem>>) src(%arg12 : memref<40x128xf32, #tpu.memory_space<vmem>>) dst(%dma_wait3A_399 : memref<40x128xf32, #tpu.memory_space<hbm>>)
      } else {
      }
      %mul3A_156 = arith.constant 40 : i32
      %mul3A_157 = arith.muli %add3A_150, %mul3A_156 : i32
      %dma_start3A_158 = tpu.memref_slice %arg5[%mul3A_157] : memref<10000xi32, #tpu.memory_space<vmem>> -> memref<40xi32, #tpu.memory_space<vmem>>
      %dma_start3A_159 = arith.constant 0 : i32
      %dma_start3A_160 = arith.constant 0 : i32
      %dma_start3A_161 = tpu.memref_slice %arg6[%dma_start3A_159, %dma_start3A_160] : memref<100x128xf32, #tpu.memory_space<vmem_shared>> -> memref<100x128xf32, #tpu.memory_space<vmem_shared>>
      tpu.enqueue_indirect_dma source(%dma_start3A_161 : memref<100x128xf32, #tpu.memory_space<vmem_shared>>) target(%arg12 : memref<40x128xf32, #tpu.memory_space<vmem>>) offsets(%dma_start3A_158 : memref<40xi32, #tpu.memory_space<vmem>>) semaphore(%arg22 : memref<!tpu.dma_semaphore, #tpu.memory_space<semaphore_mem>>)
      %mul3A_162 = arith.constant 10 : i32
      %mul3A_163 = arith.muli %scan3A_72, %mul3A_162 : i32
      %add3A_164 = arith.constant 6 : i32
      %add3A_165 = arith.addi %mul3A_163, %add3A_164 : i32
      %gt3A_166 = arith.constant 0 : i32
      %gt3A_167 = arith.cmpi sgt, %scan3A_72, %gt3A_166 : i32
      %convert_element_type3A_168 = arith.extui %gt3A_167 : i1 to i32
      %cond3A_169 = arith.constant 0 : i32
      %cond3A_170 = arith.cmpi ne, %convert_element_type3A_168, %cond3A_169 : i32
      scf.if %cond3A_170 {
        %sub3A = arith.constant 10 : i32
        %sub3A_392 = arith.subi %add3A_165, %sub3A : i32
        %mul3A_393 = arith.constant 40 : i32
        %mul3A_394 = arith.muli %sub3A_392, %mul3A_393 : i32
        %add3A_395 = arith.addi %mul3A_2, %mul3A_394 : i32
        %dma_wait3A_396 = arith.constant 0 : i32
        %dma_wait3A_397 = tpu.memref_slice %arg4[%add3A_395, %dma_wait3A_396] : memref<320000x128xf32, #tpu.memory_space<hbm>> -> memref<40x128xf32, #tpu.memory_space<hbm>>
        %dma_wait3A_398 = arith.constant 0 : i32
        %dma_wait3A_399 = tpu.memref_slice %arg4[%add3A_395, %dma_wait3A_398] : memref<320000x128xf32, #tpu.memory_space<hbm>> -> memref<40x128xf32, #tpu.memory_space<hbm>>
        tpu.wait_dma2 semaphore(%arg33 : memref<!tpu.dma_semaphore, #tpu.memory_space<semaphore_mem>>) src(%arg13 : memref<40x128xf32, #tpu.memory_space<vmem>>) dst(%dma_wait3A_399 : memref<40x128xf32, #tpu.memory_space<hbm>>)
      } else {
      }
      %mul3A_171 = arith.constant 40 : i32
      %mul3A_172 = arith.muli %add3A_165, %mul3A_171 : i32
      %dma_start3A_173 = tpu.memref_slice %arg5[%mul3A_172] : memref<10000xi32, #tpu.memory_space<vmem>> -> memref<40xi32, #tpu.memory_space<vmem>>
      %dma_start3A_174 = arith.constant 0 : i32
      %dma_start3A_175 = arith.constant 0 : i32
      %dma_start3A_176 = tpu.memref_slice %arg6[%dma_start3A_174, %dma_start3A_175] : memref<100x128xf32, #tpu.memory_space<vmem_shared>> -> memref<100x128xf32, #tpu.memory_space<vmem_shared>>
      tpu.enqueue_indirect_dma source(%dma_start3A_176 : memref<100x128xf32, #tpu.memory_space<vmem_shared>>) target(%arg13 : memref<40x128xf32, #tpu.memory_space<vmem>>) offsets(%dma_start3A_173 : memref<40xi32, #tpu.memory_space<vmem>>) semaphore(%arg23 : memref<!tpu.dma_semaphore, #tpu.memory_space<semaphore_mem>>)
      %mul3A_177 = arith.constant 10 : i32
      %mul3A_178 = arith.muli %scan3A_72, %mul3A_177 : i32
      %add3A_179 = arith.constant 7 : i32
      %add3A_180 = arith.addi %mul3A_178, %add3A_179 : i32
      %gt3A_181 = arith.constant 0 : i32
      %gt3A_182 = arith.cmpi sgt, %scan3A_72, %gt3A_181 : i32
      %convert_element_type3A_183 = arith.extui %gt3A_182 : i1 to i32
      %cond3A_184 = arith.constant 0 : i32
      %cond3A_185 = arith.cmpi ne, %convert_element_type3A_183, %cond3A_184 : i32
      scf.if %cond3A_185 {
        %sub3A = arith.constant 10 : i32
        %sub3A_392 = arith.subi %add3A_180, %sub3A : i32
        %mul3A_393 = arith.constant 40 : i32
        %mul3A_394 = arith.muli %sub3A_392, %mul3A_393 : i32
        %add3A_395 = arith.addi %mul3A_2, %mul3A_394 : i32
        %dma_wait3A_396 = arith.constant 0 : i32
        %dma_wait3A_397 = tpu.memref_slice %arg4[%add3A_395, %dma_wait3A_396] : memref<320000x128xf32, #tpu.memory_space<hbm>> -> memref<40x128xf32, #tpu.memory_space<hbm>>
        %dma_wait3A_398 = arith.constant 0 : i32
        %dma_wait3A_399 = tpu.memref_slice %arg4[%add3A_395, %dma_wait3A_398] : memref<320000x128xf32, #tpu.memory_space<hbm>> -> memref<40x128xf32, #tpu.memory_space<hbm>>
        tpu.wait_dma2 semaphore(%arg34 : memref<!tpu.dma_semaphore, #tpu.memory_space<semaphore_mem>>) src(%arg14 : memref<40x128xf32, #tpu.memory_space<vmem>>) dst(%dma_wait3A_399 : memref<40x128xf32, #tpu.memory_space<hbm>>)
      } else {
      }
      %mul3A_186 = arith.constant 40 : i32
      %mul3A_187 = arith.muli %add3A_180, %mul3A_186 : i32
      %dma_start3A_188 = tpu.memref_slice %arg5[%mul3A_187] : memref<10000xi32, #tpu.memory_space<vmem>> -> memref<40xi32, #tpu.memory_space<vmem>>
      %dma_start3A_189 = arith.constant 0 : i32
      %dma_start3A_190 = arith.constant 0 : i32
      %dma_start3A_191 = tpu.memref_slice %arg6[%dma_start3A_189, %dma_start3A_190] : memref<100x128xf32, #tpu.memory_space<vmem_shared>> -> memref<100x128xf32, #tpu.memory_space<vmem_shared>>
      tpu.enqueue_indirect_dma source(%dma_start3A_191 : memref<100x128xf32, #tpu.memory_space<vmem_shared>>) target(%arg14 : memref<40x128xf32, #tpu.memory_space<vmem>>) offsets(%dma_start3A_188 : memref<40xi32, #tpu.memory_space<vmem>>) semaphore(%arg24 : memref<!tpu.dma_semaphore, #tpu.memory_space<semaphore_mem>>)
      %mul3A_192 = arith.constant 10 : i32
      %mul3A_193 = arith.muli %scan3A_72, %mul3A_192 : i32
      %add3A_194 = arith.constant 8 : i32
      %add3A_195 = arith.addi %mul3A_193, %add3A_194 : i32
      %gt3A_196 = arith.constant 0 : i32
      %gt3A_197 = arith.cmpi sgt, %scan3A_72, %gt3A_196 : i32
      %convert_element_type3A_198 = arith.extui %gt3A_197 : i1 to i32
      %cond3A_199 = arith.constant 0 : i32
      %cond3A_200 = arith.cmpi ne, %convert_element_type3A_198, %cond3A_199 : i32
      scf.if %cond3A_200 {
        %sub3A = arith.constant 10 : i32
        %sub3A_392 = arith.subi %add3A_195, %sub3A : i32
        %mul3A_393 = arith.constant 40 : i32
        %mul3A_394 = arith.muli %sub3A_392, %mul3A_393 : i32
        %add3A_395 = arith.addi %mul3A_2, %mul3A_394 : i32
        %dma_wait3A_396 = arith.constant 0 : i32
        %dma_wait3A_397 = tpu.memref_slice %arg4[%add3A_395, %dma_wait3A_396] : memref<320000x128xf32, #tpu.memory_space<hbm>> -> memref<40x128xf32, #tpu.memory_space<hbm>>
        %dma_wait3A_398 = arith.constant 0 : i32
        %dma_wait3A_399 = tpu.memref_slice %arg4[%add3A_395, %dma_wait3A_398] : memref<320000x128xf32, #tpu.memory_space<hbm>> -> memref<40x128xf32, #tpu.memory_space<hbm>>
        tpu.wait_dma2 semaphore(%arg35 : memref<!tpu.dma_semaphore, #tpu.memory_space<semaphore_mem>>) src(%arg15 : memref<40x128xf32, #tpu.memory_space<vmem>>) dst(%dma_wait3A_399 : memref<40x128xf32, #tpu.memory_space<hbm>>)
      } else {
      }
      %mul3A_201 = arith.constant 40 : i32
      %mul3A_202 = arith.muli %add3A_195, %mul3A_201 : i32
      %dma_start3A_203 = tpu.memref_slice %arg5[%mul3A_202] : memref<10000xi32, #tpu.memory_space<vmem>> -> memref<40xi32, #tpu.memory_space<vmem>>
      %dma_start3A_204 = arith.constant 0 : i32
      %dma_start3A_205 = arith.constant 0 : i32
      %dma_start3A_206 = tpu.memref_slice %arg6[%dma_start3A_204, %dma_start3A_205] : memref<100x128xf32, #tpu.memory_space<vmem_shared>> -> memref<100x128xf32, #tpu.memory_space<vmem_shared>>
      tpu.enqueue_indirect_dma source(%dma_start3A_206 : memref<100x128xf32, #tpu.memory_space<vmem_shared>>) target(%arg15 : memref<40x128xf32, #tpu.memory_space<vmem>>) offsets(%dma_start3A_203 : memref<40xi32, #tpu.memory_space<vmem>>) semaphore(%arg25 : memref<!tpu.dma_semaphore, #tpu.memory_space<semaphore_mem>>)
      %mul3A_207 = arith.constant 10 : i32
      %mul3A_208 = arith.muli %scan3A_72, %mul3A_207 : i32
      %add3A_209 = arith.constant 9 : i32
      %add3A_210 = arith.addi %mul3A_208, %add3A_209 : i32
      %gt3A_211 = arith.constant 0 : i32
      %gt3A_212 = arith.cmpi sgt, %scan3A_72, %gt3A_211 : i32
      %convert_element_type3A_213 = arith.extui %gt3A_212 : i1 to i32
      %cond3A_214 = arith.constant 0 : i32
      %cond3A_215 = arith.cmpi ne, %convert_element_type3A_213, %cond3A_214 : i32
      scf.if %cond3A_215 {
        %sub3A = arith.constant 10 : i32
        %sub3A_392 = arith.subi %add3A_210, %sub3A : i32
        %mul3A_393 = arith.constant 40 : i32
        %mul3A_394 = arith.muli %sub3A_392, %mul3A_393 : i32
        %add3A_395 = arith.addi %mul3A_2, %mul3A_394 : i32
        %dma_wait3A_396 = arith.constant 0 : i32
        %dma_wait3A_397 = tpu.memref_slice %arg4[%add3A_395, %dma_wait3A_396] : memref<320000x128xf32, #tpu.memory_space<hbm>> -> memref<40x128xf32, #tpu.memory_space<hbm>>
        %dma_wait3A_398 = arith.constant 0 : i32
        %dma_wait3A_399 = tpu.memref_slice %arg4[%add3A_395, %dma_wait3A_398] : memref<320000x128xf32, #tpu.memory_space<hbm>> -> memref<40x128xf32, #tpu.memory_space<hbm>>
        tpu.wait_dma2 semaphore(%arg36 : memref<!tpu.dma_semaphore, #tpu.memory_space<semaphore_mem>>) src(%arg16 : memref<40x128xf32, #tpu.memory_space<vmem>>) dst(%dma_wait3A_399 : memref<40x128xf32, #tpu.memory_space<hbm>>)
      } else {
      }
      %mul3A_216 = arith.constant 40 : i32
      %mul3A_217 = arith.muli %add3A_210, %mul3A_216 : i32
      %dma_start3A_218 = tpu.memref_slice %arg5[%mul3A_217] : memref<10000xi32, #tpu.memory_space<vmem>> -> memref<40xi32, #tpu.memory_space<vmem>>
      %dma_start3A_219 = arith.constant 0 : i32
      %dma_start3A_220 = arith.constant 0 : i32
      %dma_start3A_221 = tpu.memref_slice %arg6[%dma_start3A_219, %dma_start3A_220] : memref<100x128xf32, #tpu.memory_space<vmem_shared>> -> memref<100x128xf32, #tpu.memory_space<vmem_shared>>
      tpu.enqueue_indirect_dma source(%dma_start3A_221 : memref<100x128xf32, #tpu.memory_space<vmem_shared>>) target(%arg16 : memref<40x128xf32, #tpu.memory_space<vmem>>) offsets(%dma_start3A_218 : memref<40xi32, #tpu.memory_space<vmem>>) semaphore(%arg26 : memref<!tpu.dma_semaphore, #tpu.memory_space<semaphore_mem>>)
      %mul3A_222 = arith.constant 10 : i32
      %mul3A_223 = arith.muli %scan3A_72, %mul3A_222 : i32
      %add3A_224 = arith.constant 0 : i32
      %add3A_225 = arith.addi %mul3A_223, %add3A_224 : i32
      %mul3A_226 = arith.constant 40 : i32
      %mul3A_227 = arith.muli %add3A_225, %mul3A_226 : i32
      %dma_wait3A_228 = tpu.memref_slice %arg5[%mul3A_227] : memref<10000xi32, #tpu.memory_space<vmem>> -> memref<40xi32, #tpu.memory_space<vmem>>
      %dma_wait3A_229 = arith.constant 0 : i32
      %dma_wait3A_230 = arith.constant 0 : i32
      %dma_wait3A_231 = tpu.memref_slice %arg6[%dma_wait3A_229, %dma_wait3A_230] : memref<100x128xf32, #tpu.memory_space<vmem_shared>> -> memref<100x128xf32, #tpu.memory_space<vmem_shared>>
      tpu.wait_indirect_dma semaphore(%arg17 : memref<!tpu.dma_semaphore, #tpu.memory_space<semaphore_mem>>) src(%dma_wait3A_231 : memref<100x128xf32, #tpu.memory_space<vmem_shared>>) dst(%arg7 : memref<40x128xf32, #tpu.memory_space<vmem>>)
      %mul3A_232 = arith.constant 40 : i32
      %mul3A_233 = arith.muli %add3A_225, %mul3A_232 : i32
      %add3A_234 = arith.addi %mul3A_2, %mul3A_233 : i32
      %dma_start3A_235 = arith.constant 0 : i32
      %dma_start3A_236 = tpu.memref_slice %arg4[%add3A_234, %dma_start3A_235] : memref<320000x128xf32, #tpu.memory_space<hbm>> -> memref<40x128xf32, #tpu.memory_space<hbm>>
      %dma_start3A_237 = arith.constant 0 : i32
      %dma_start3A_238 = tpu.memref_slice %arg4[%add3A_234, %dma_start3A_237] : memref<320000x128xf32, #tpu.memory_space<hbm>> -> memref<40x128xf32, #tpu.memory_space<hbm>>
      tpu.enqueue_dma source(%arg7 : memref<40x128xf32, #tpu.memory_space<vmem>>) target(%dma_start3A_238 : memref<40x128xf32, #tpu.memory_space<hbm>>) target_semaphore(%arg27 : memref<!tpu.dma_semaphore, #tpu.memory_space<semaphore_mem>>)
      %mul3A_239 = arith.constant 10 : i32
      %mul3A_240 = arith.muli %scan3A_72, %mul3A_239 : i32
      %add3A_241 = arith.constant 1 : i32
      %add3A_242 = arith.addi %mul3A_240, %add3A_241 : i32
      %mul3A_243 = arith.constant 40 : i32
      %mul3A_244 = arith.muli %add3A_242, %mul3A_243 : i32
      %dma_wait3A_245 = tpu.memref_slice %arg5[%mul3A_244] : memref<10000xi32, #tpu.memory_space<vmem>> -> memref<40xi32, #tpu.memory_space<vmem>>
      %dma_wait3A_246 = arith.constant 0 : i32
      %dma_wait3A_247 = arith.constant 0 : i32
      %dma_wait3A_248 = tpu.memref_slice %arg6[%dma_wait3A_246, %dma_wait3A_247] : memref<100x128xf32, #tpu.memory_space<vmem_shared>> -> memref<100x128xf32, #tpu.memory_space<vmem_shared>>
      tpu.wait_indirect_dma semaphore(%arg18 : memref<!tpu.dma_semaphore, #tpu.memory_space<semaphore_mem>>) src(%dma_wait3A_248 : memref<100x128xf32, #tpu.memory_space<vmem_shared>>) dst(%arg8 : memref<40x128xf32, #tpu.memory_space<vmem>>)
      %mul3A_249 = arith.constant 40 : i32
      %mul3A_250 = arith.muli %add3A_242, %mul3A_249 : i32
      %add3A_251 = arith.addi %mul3A_2, %mul3A_250 : i32
      %dma_start3A_252 = arith.constant 0 : i32
      %dma_start3A_253 = tpu.memref_slice %arg4[%add3A_251, %dma_start3A_252] : memref<320000x128xf32, #tpu.memory_space<hbm>> -> memref<40x128xf32, #tpu.memory_space<hbm>>
      %dma_start3A_254 = arith.constant 0 : i32
      %dma_start3A_255 = tpu.memref_slice %arg4[%add3A_251, %dma_start3A_254] : memref<320000x128xf32, #tpu.memory_space<hbm>> -> memref<40x128xf32, #tpu.memory_space<hbm>>
      tpu.enqueue_dma source(%arg8 : memref<40x128xf32, #tpu.memory_space<vmem>>) target(%dma_start3A_255 : memref<40x128xf32, #tpu.memory_space<hbm>>) target_semaphore(%arg28 : memref<!tpu.dma_semaphore, #tpu.memory_space<semaphore_mem>>)
      %mul3A_256 = arith.constant 10 : i32
      %mul3A_257 = arith.muli %scan3A_72, %mul3A_256 : i32
      %add3A_258 = arith.constant 2 : i32
      %add3A_259 = arith.addi %mul3A_257, %add3A_258 : i32
      %mul3A_260 = arith.constant 40 : i32
      %mul3A_261 = arith.muli %add3A_259, %mul3A_260 : i32
      %dma_wait3A_262 = tpu.memref_slice %arg5[%mul3A_261] : memref<10000xi32, #tpu.memory_space<vmem>> -> memref<40xi32, #tpu.memory_space<vmem>>
      %dma_wait3A_263 = arith.constant 0 : i32
      %dma_wait3A_264 = arith.constant 0 : i32
      %dma_wait3A_265 = tpu.memref_slice %arg6[%dma_wait3A_263, %dma_wait3A_264] : memref<100x128xf32, #tpu.memory_space<vmem_shared>> -> memref<100x128xf32, #tpu.memory_space<vmem_shared>>
      tpu.wait_indirect_dma semaphore(%arg19 : memref<!tpu.dma_semaphore, #tpu.memory_space<semaphore_mem>>) src(%dma_wait3A_265 : memref<100x128xf32, #tpu.memory_space<vmem_shared>>) dst(%arg9 : memref<40x128xf32, #tpu.memory_space<vmem>>)
      %mul3A_266 = arith.constant 40 : i32
      %mul3A_267 = arith.muli %add3A_259, %mul3A_266 : i32
      %add3A_268 = arith.addi %mul3A_2, %mul3A_267 : i32
      %dma_start3A_269 = arith.constant 0 : i32
      %dma_start3A_270 = tpu.memref_slice %arg4[%add3A_268, %dma_start3A_269] : memref<320000x128xf32, #tpu.memory_space<hbm>> -> memref<40x128xf32, #tpu.memory_space<hbm>>
      %dma_start3A_271 = arith.constant 0 : i32
      %dma_start3A_272 = tpu.memref_slice %arg4[%add3A_268, %dma_start3A_271] : memref<320000x128xf32, #tpu.memory_space<hbm>> -> memref<40x128xf32, #tpu.memory_space<hbm>>
      tpu.enqueue_dma source(%arg9 : memref<40x128xf32, #tpu.memory_space<vmem>>) target(%dma_start3A_272 : memref<40x128xf32, #tpu.memory_space<hbm>>) target_semaphore(%arg29 : memref<!tpu.dma_semaphore, #tpu.memory_space<semaphore_mem>>)
      %mul3A_273 = arith.constant 10 : i32
      %mul3A_274 = arith.muli %scan3A_72, %mul3A_273 : i32
      %add3A_275 = arith.constant 3 : i32
      %add3A_276 = arith.addi %mul3A_274, %add3A_275 : i32
      %mul3A_277 = arith.constant 40 : i32
      %mul3A_278 = arith.muli %add3A_276, %mul3A_277 : i32
      %dma_wait3A_279 = tpu.memref_slice %arg5[%mul3A_278] : memref<10000xi32, #tpu.memory_space<vmem>> -> memref<40xi32, #tpu.memory_space<vmem>>
      %dma_wait3A_280 = arith.constant 0 : i32
      %dma_wait3A_281 = arith.constant 0 : i32
      %dma_wait3A_282 = tpu.memref_slice %arg6[%dma_wait3A_280, %dma_wait3A_281] : memref<100x128xf32, #tpu.memory_space<vmem_shared>> -> memref<100x128xf32, #tpu.memory_space<vmem_shared>>
      tpu.wait_indirect_dma semaphore(%arg20 : memref<!tpu.dma_semaphore, #tpu.memory_space<semaphore_mem>>) src(%dma_wait3A_282 : memref<100x128xf32, #tpu.memory_space<vmem_shared>>) dst(%arg10 : memref<40x128xf32, #tpu.memory_space<vmem>>)
      %mul3A_283 = arith.constant 40 : i32
      %mul3A_284 = arith.muli %add3A_276, %mul3A_283 : i32
      %add3A_285 = arith.addi %mul3A_2, %mul3A_284 : i32
      %dma_start3A_286 = arith.constant 0 : i32
      %dma_start3A_287 = tpu.memref_slice %arg4[%add3A_285, %dma_start3A_286] : memref<320000x128xf32, #tpu.memory_space<hbm>> -> memref<40x128xf32, #tpu.memory_space<hbm>>
      %dma_start3A_288 = arith.constant 0 : i32
      %dma_start3A_289 = tpu.memref_slice %arg4[%add3A_285, %dma_start3A_288] : memref<320000x128xf32, #tpu.memory_space<hbm>> -> memref<40x128xf32, #tpu.memory_space<hbm>>
      tpu.enqueue_dma source(%arg10 : memref<40x128xf32, #tpu.memory_space<vmem>>) target(%dma_start3A_289 : memref<40x128xf32, #tpu.memory_space<hbm>>) target_semaphore(%arg30 : memref<!tpu.dma_semaphore, #tpu.memory_space<semaphore_mem>>)
      %mul3A_290 = arith.constant 10 : i32
      %mul3A_291 = arith.muli %scan3A_72, %mul3A_290 : i32
      %add3A_292 = arith.constant 4 : i32
      %add3A_293 = arith.addi %mul3A_291, %add3A_292 : i32
      %mul3A_294 = arith.constant 40 : i32
      %mul3A_295 = arith.muli %add3A_293, %mul3A_294 : i32
      %dma_wait3A_296 = tpu.memref_slice %arg5[%mul3A_295] : memref<10000xi32, #tpu.memory_space<vmem>> -> memref<40xi32, #tpu.memory_space<vmem>>
      %dma_wait3A_297 = arith.constant 0 : i32
      %dma_wait3A_298 = arith.constant 0 : i32
      %dma_wait3A_299 = tpu.memref_slice %arg6[%dma_wait3A_297, %dma_wait3A_298] : memref<100x128xf32, #tpu.memory_space<vmem_shared>> -> memref<100x128xf32, #tpu.memory_space<vmem_shared>>
      tpu.wait_indirect_dma semaphore(%arg21 : memref<!tpu.dma_semaphore, #tpu.memory_space<semaphore_mem>>) src(%dma_wait3A_299 : memref<100x128xf32, #tpu.memory_space<vmem_shared>>) dst(%arg11 : memref<40x128xf32, #tpu.memory_space<vmem>>)
      %mul3A_300 = arith.constant 40 : i32
      %mul3A_301 = arith.muli %add3A_293, %mul3A_300 : i32
      %add3A_302 = arith.addi %mul3A_2, %mul3A_301 : i32
      %dma_start3A_303 = arith.constant 0 : i32
      %dma_start3A_304 = tpu.memref_slice %arg4[%add3A_302, %dma_start3A_303] : memref<320000x128xf32, #tpu.memory_space<hbm>> -> memref<40x128xf32, #tpu.memory_space<hbm>>
      %dma_start3A_305 = arith.constant 0 : i32
      %dma_start3A_306 = tpu.memref_slice %arg4[%add3A_302, %dma_start3A_305] : memref<320000x128xf32, #tpu.memory_space<hbm>> -> memref<40x128xf32, #tpu.memory_space<hbm>>
      tpu.enqueue_dma source(%arg11 : memref<40x128xf32, #tpu.memory_space<vmem>>) target(%dma_start3A_306 : memref<40x128xf32, #tpu.memory_space<hbm>>) target_semaphore(%arg31 : memref<!tpu.dma_semaphore, #tpu.memory_space<semaphore_mem>>)
      %mul3A_307 = arith.constant 10 : i32
      %mul3A_308 = arith.muli %scan3A_72, %mul3A_307 : i32
      %add3A_309 = arith.constant 5 : i32
      %add3A_310 = arith.addi %mul3A_308, %add3A_309 : i32
      %mul3A_311 = arith.constant 40 : i32
      %mul3A_312 = arith.muli %add3A_310, %mul3A_311 : i32
      %dma_wait3A_313 = tpu.memref_slice %arg5[%mul3A_312] : memref<10000xi32, #tpu.memory_space<vmem>> -> memref<40xi32, #tpu.memory_space<vmem>>
      %dma_wait3A_314 = arith.constant 0 : i32
      %dma_wait3A_315 = arith.constant 0 : i32
      %dma_wait3A_316 = tpu.memref_slice %arg6[%dma_wait3A_314, %dma_wait3A_315] : memref<100x128xf32, #tpu.memory_space<vmem_shared>> -> memref<100x128xf32, #tpu.memory_space<vmem_shared>>
      tpu.wait_indirect_dma semaphore(%arg22 : memref<!tpu.dma_semaphore, #tpu.memory_space<semaphore_mem>>) src(%dma_wait3A_316 : memref<100x128xf32, #tpu.memory_space<vmem_shared>>) dst(%arg12 : memref<40x128xf32, #tpu.memory_space<vmem>>)
      %mul3A_317 = arith.constant 40 : i32
      %mul3A_318 = arith.muli %add3A_310, %mul3A_317 : i32
      %add3A_319 = arith.addi %mul3A_2, %mul3A_318 : i32
      %dma_start3A_320 = arith.constant 0 : i32
      %dma_start3A_321 = tpu.memref_slice %arg4[%add3A_319, %dma_start3A_320] : memref<320000x128xf32, #tpu.memory_space<hbm>> -> memref<40x128xf32, #tpu.memory_space<hbm>>
      %dma_start3A_322 = arith.constant 0 : i32
      %dma_start3A_323 = tpu.memref_slice %arg4[%add3A_319, %dma_start3A_322] : memref<320000x128xf32, #tpu.memory_space<hbm>> -> memref<40x128xf32, #tpu.memory_space<hbm>>
      tpu.enqueue_dma source(%arg12 : memref<40x128xf32, #tpu.memory_space<vmem>>) target(%dma_start3A_323 : memref<40x128xf32, #tpu.memory_space<hbm>>) target_semaphore(%arg32 : memref<!tpu.dma_semaphore, #tpu.memory_space<semaphore_mem>>)
      %mul3A_324 = arith.constant 10 : i32
      %mul3A_325 = arith.muli %scan3A_72, %mul3A_324 : i32
      %add3A_326 = arith.constant 6 : i32
      %add3A_327 = arith.addi %mul3A_325, %add3A_326 : i32
      %mul3A_328 = arith.constant 40 : i32
      %mul3A_329 = arith.muli %add3A_327, %mul3A_328 : i32
      %dma_wait3A_330 = tpu.memref_slice %arg5[%mul3A_329] : memref<10000xi32, #tpu.memory_space<vmem>> -> memref<40xi32, #tpu.memory_space<vmem>>
      %dma_wait3A_331 = arith.constant 0 : i32
      %dma_wait3A_332 = arith.constant 0 : i32
      %dma_wait3A_333 = tpu.memref_slice %arg6[%dma_wait3A_331, %dma_wait3A_332] : memref<100x128xf32, #tpu.memory_space<vmem_shared>> -> memref<100x128xf32, #tpu.memory_space<vmem_shared>>
      tpu.wait_indirect_dma semaphore(%arg23 : memref<!tpu.dma_semaphore, #tpu.memory_space<semaphore_mem>>) src(%dma_wait3A_333 : memref<100x128xf32, #tpu.memory_space<vmem_shared>>) dst(%arg13 : memref<40x128xf32, #tpu.memory_space<vmem>>)
      %mul3A_334 = arith.constant 40 : i32
      %mul3A_335 = arith.muli %add3A_327, %mul3A_334 : i32
      %add3A_336 = arith.addi %mul3A_2, %mul3A_335 : i32
      %dma_start3A_337 = arith.constant 0 : i32
      %dma_start3A_338 = tpu.memref_slice %arg4[%add3A_336, %dma_start3A_337] : memref<320000x128xf32, #tpu.memory_space<hbm>> -> memref<40x128xf32, #tpu.memory_space<hbm>>
      %dma_start3A_339 = arith.constant 0 : i32
      %dma_start3A_340 = tpu.memref_slice %arg4[%add3A_336, %dma_start3A_339] : memref<320000x128xf32, #tpu.memory_space<hbm>> -> memref<40x128xf32, #tpu.memory_space<hbm>>
      tpu.enqueue_dma source(%arg13 : memref<40x128xf32, #tpu.memory_space<vmem>>) target(%dma_start3A_340 : memref<40x128xf32, #tpu.memory_space<hbm>>) target_semaphore(%arg33 : memref<!tpu.dma_semaphore, #tpu.memory_space<semaphore_mem>>)
      %mul3A_341 = arith.constant 10 : i32
      %mul3A_342 = arith.muli %scan3A_72, %mul3A_341 : i32
      %add3A_343 = arith.constant 7 : i32
      %add3A_344 = arith.addi %mul3A_342, %add3A_343 : i32
      %mul3A_345 = arith.constant 40 : i32
      %mul3A_346 = arith.muli %add3A_344, %mul3A_345 : i32
      %dma_wait3A_347 = tpu.memref_slice %arg5[%mul3A_346] : memref<10000xi32, #tpu.memory_space<vmem>> -> memref<40xi32, #tpu.memory_space<vmem>>
      %dma_wait3A_348 = arith.constant 0 : i32
      %dma_wait3A_349 = arith.constant 0 : i32
      %dma_wait3A_350 = tpu.memref_slice %arg6[%dma_wait3A_348, %dma_wait3A_349] : memref<100x128xf32, #tpu.memory_space<vmem_shared>> -> memref<100x128xf32, #tpu.memory_space<vmem_shared>>
      tpu.wait_indirect_dma semaphore(%arg24 : memref<!tpu.dma_semaphore, #tpu.memory_space<semaphore_mem>>) src(%dma_wait3A_350 : memref<100x128xf32, #tpu.memory_space<vmem_shared>>) dst(%arg14 : memref<40x128xf32, #tpu.memory_space<vmem>>)
      %mul3A_351 = arith.constant 40 : i32
      %mul3A_352 = arith.muli %add3A_344, %mul3A_351 : i32
      %add3A_353 = arith.addi %mul3A_2, %mul3A_352 : i32
      %dma_start3A_354 = arith.constant 0 : i32
      %dma_start3A_355 = tpu.memref_slice %arg4[%add3A_353, %dma_start3A_354] : memref<320000x128xf32, #tpu.memory_space<hbm>> -> memref<40x128xf32, #tpu.memory_space<hbm>>
      %dma_start3A_356 = arith.constant 0 : i32
      %dma_start3A_357 = tpu.memref_slice %arg4[%add3A_353, %dma_start3A_356] : memref<320000x128xf32, #tpu.memory_space<hbm>> -> memref<40x128xf32, #tpu.memory_space<hbm>>
      tpu.enqueue_dma source(%arg14 : memref<40x128xf32, #tpu.memory_space<vmem>>) target(%dma_start3A_357 : memref<40x128xf32, #tpu.memory_space<hbm>>) target_semaphore(%arg34 : memref<!tpu.dma_semaphore, #tpu.memory_space<semaphore_mem>>)
      %mul3A_358 = arith.constant 10 : i32
      %mul3A_359 = arith.muli %scan3A_72, %mul3A_358 : i32
      %add3A_360 = arith.constant 8 : i32
      %add3A_361 = arith.addi %mul3A_359, %add3A_360 : i32
      %mul3A_362 = arith.constant 40 : i32
      %mul3A_363 = arith.muli %add3A_361, %mul3A_362 : i32
      %dma_wait3A_364 = tpu.memref_slice %arg5[%mul3A_363] : memref<10000xi32, #tpu.memory_space<vmem>> -> memref<40xi32, #tpu.memory_space<vmem>>
      %dma_wait3A_365 = arith.constant 0 : i32
      %dma_wait3A_366 = arith.constant 0 : i32
      %dma_wait3A_367 = tpu.memref_slice %arg6[%dma_wait3A_365, %dma_wait3A_366] : memref<100x128xf32, #tpu.memory_space<vmem_shared>> -> memref<100x128xf32, #tpu.memory_space<vmem_shared>>
      tpu.wait_indirect_dma semaphore(%arg25 : memref<!tpu.dma_semaphore, #tpu.memory_space<semaphore_mem>>) src(%dma_wait3A_367 : memref<100x128xf32, #tpu.memory_space<vmem_shared>>) dst(%arg15 : memref<40x128xf32, #tpu.memory_space<vmem>>)
      %mul3A_368 = arith.constant 40 : i32
      %mul3A_369 = arith.muli %add3A_361, %mul3A_368 : i32
      %add3A_370 = arith.addi %mul3A_2, %mul3A_369 : i32
      %dma_start3A_371 = arith.constant 0 : i32
      %dma_start3A_372 = tpu.memref_slice %arg4[%add3A_370, %dma_start3A_371] : memref<320000x128xf32, #tpu.memory_space<hbm>> -> memref<40x128xf32, #tpu.memory_space<hbm>>
      %dma_start3A_373 = arith.constant 0 : i32
      %dma_start3A_374 = tpu.memref_slice %arg4[%add3A_370, %dma_start3A_373] : memref<320000x128xf32, #tpu.memory_space<hbm>> -> memref<40x128xf32, #tpu.memory_space<hbm>>
      tpu.enqueue_dma source(%arg15 : memref<40x128xf32, #tpu.memory_space<vmem>>) target(%dma_start3A_374 : memref<40x128xf32, #tpu.memory_space<hbm>>) target_semaphore(%arg35 : memref<!tpu.dma_semaphore, #tpu.memory_space<semaphore_mem>>)
      %mul3A_375 = arith.constant 10 : i32
      %mul3A_376 = arith.muli %scan3A_72, %mul3A_375 : i32
      %add3A_377 = arith.constant 9 : i32
      %add3A_378 = arith.addi %mul3A_376, %add3A_377 : i32
      %mul3A_379 = arith.constant 40 : i32
      %mul3A_380 = arith.muli %add3A_378, %mul3A_379 : i32
      %dma_wait3A_381 = tpu.memref_slice %arg5[%mul3A_380] : memref<10000xi32, #tpu.memory_space<vmem>> -> memref<40xi32, #tpu.memory_space<vmem>>
      %dma_wait3A_382 = arith.constant 0 : i32
      %dma_wait3A_383 = arith.constant 0 : i32
      %dma_wait3A_384 = tpu.memref_slice %arg6[%dma_wait3A_382, %dma_wait3A_383] : memref<100x128xf32, #tpu.memory_space<vmem_shared>> -> memref<100x128xf32, #tpu.memory_space<vmem_shared>>
      tpu.wait_indirect_dma semaphore(%arg26 : memref<!tpu.dma_semaphore, #tpu.memory_space<semaphore_mem>>) src(%dma_wait3A_384 : memref<100x128xf32, #tpu.memory_space<vmem_shared>>) dst(%arg16 : memref<40x128xf32, #tpu.memory_space<vmem>>)
      %mul3A_385 = arith.constant 40 : i32
      %mul3A_386 = arith.muli %add3A_378, %mul3A_385 : i32
      %add3A_387 = arith.addi %mul3A_2, %mul3A_386 : i32
      %dma_start3A_388 = arith.constant 0 : i32
      %dma_start3A_389 = tpu.memref_slice %arg4[%add3A_387, %dma_start3A_388] : memref<320000x128xf32, #tpu.memory_space<hbm>> -> memref<40x128xf32, #tpu.memory_space<hbm>>
      %dma_start3A_390 = arith.constant 0 : i32
      %dma_start3A_391 = tpu.memref_slice %arg4[%add3A_387, %dma_start3A_390] : memref<320000x128xf32, #tpu.memory_space<hbm>> -> memref<40x128xf32, #tpu.memory_space<hbm>>
      tpu.enqueue_dma source(%arg16 : memref<40x128xf32, #tpu.memory_space<vmem>>) target(%dma_start3A_391 : memref<40x128xf32, #tpu.memory_space<hbm>>) target_semaphore(%arg36 : memref<!tpu.dma_semaphore, #tpu.memory_space<semaphore_mem>>)
    }
    %scan3A_11 = arith.constant 25 : i32
    %add3A_12 = arith.constant 0 : i32
    %add3A_13 = arith.addi %mul3A_2, %add3A_12 : i32
    %dma_wait3A_14 = arith.constant 0 : i32
    %dma_wait3A_15 = tpu.memref_slice %arg4[%add3A_13, %dma_wait3A_14] : memref<320000x128xf32, #tpu.memory_space<hbm>> -> memref<40x128xf32, #tpu.memory_space<hbm>>
    %dma_wait3A_16 = arith.constant 0 : i32
    %dma_wait3A_17 = tpu.memref_slice %arg4[%add3A_13, %dma_wait3A_16] : memref<320000x128xf32, #tpu.memory_space<hbm>> -> memref<40x128xf32, #tpu.memory_space<hbm>>
    tpu.wait_dma2 semaphore(%arg27 : memref<!tpu.dma_semaphore, #tpu.memory_space<semaphore_mem>>) src(%arg7 : memref<40x128xf32, #tpu.memory_space<vmem>>) dst(%dma_wait3A_17 : memref<40x128xf32, #tpu.memory_space<hbm>>)
    %add3A_18 = arith.constant 0 : i32
    %add3A_19 = arith.addi %mul3A_2, %add3A_18 : i32
    %dma_wait3A_20 = arith.constant 0 : i32
    %dma_wait3A_21 = tpu.memref_slice %arg4[%add3A_19, %dma_wait3A_20] : memref<320000x128xf32, #tpu.memory_space<hbm>> -> memref<40x128xf32, #tpu.memory_space<hbm>>
    %dma_wait3A_22 = arith.constant 0 : i32
    %dma_wait3A_23 = tpu.memref_slice %arg4[%add3A_19, %dma_wait3A_22] : memref<320000x128xf32, #tpu.memory_space<hbm>> -> memref<40x128xf32, #tpu.memory_space<hbm>>
    tpu.wait_dma2 semaphore(%arg28 : memref<!tpu.dma_semaphore, #tpu.memory_space<semaphore_mem>>) src(%arg8 : memref<40x128xf32, #tpu.memory_space<vmem>>) dst(%dma_wait3A_23 : memref<40x128xf32, #tpu.memory_space<hbm>>)
    %add3A_24 = arith.constant 0 : i32
    %add3A_25 = arith.addi %mul3A_2, %add3A_24 : i32
    %dma_wait3A_26 = arith.constant 0 : i32
    %dma_wait3A_27 = tpu.memref_slice %arg4[%add3A_25, %dma_wait3A_26] : memref<320000x128xf32, #tpu.memory_space<hbm>> -> memref<40x128xf32, #tpu.memory_space<hbm>>
    %dma_wait3A_28 = arith.constant 0 : i32
    %dma_wait3A_29 = tpu.memref_slice %arg4[%add3A_25, %dma_wait3A_28] : memref<320000x128xf32, #tpu.memory_space<hbm>> -> memref<40x128xf32, #tpu.memory_space<hbm>>
    tpu.wait_dma2 semaphore(%arg29 : memref<!tpu.dma_semaphore, #tpu.memory_space<semaphore_mem>>) src(%arg9 : memref<40x128xf32, #tpu.memory_space<vmem>>) dst(%dma_wait3A_29 : memref<40x128xf32, #tpu.memory_space<hbm>>)
    %add3A_30 = arith.constant 0 : i32
    %add3A_31 = arith.addi %mul3A_2, %add3A_30 : i32
    %dma_wait3A_32 = arith.constant 0 : i32
    %dma_wait3A_33 = tpu.memref_slice %arg4[%add3A_31, %dma_wait3A_32] : memref<320000x128xf32, #tpu.memory_space<hbm>> -> memref<40x128xf32, #tpu.memory_space<hbm>>
    %dma_wait3A_34 = arith.constant 0 : i32
    %dma_wait3A_35 = tpu.memref_slice %arg4[%add3A_31, %dma_wait3A_34] : memref<320000x128xf32, #tpu.memory_space<hbm>> -> memref<40x128xf32, #tpu.memory_space<hbm>>
    tpu.wait_dma2 semaphore(%arg30 : memref<!tpu.dma_semaphore, #tpu.memory_space<semaphore_mem>>) src(%arg10 : memref<40x128xf32, #tpu.memory_space<vmem>>) dst(%dma_wait3A_35 : memref<40x128xf32, #tpu.memory_space<hbm>>)
    %add3A_36 = arith.constant 0 : i32
    %add3A_37 = arith.addi %mul3A_2, %add3A_36 : i32
    %dma_wait3A_38 = arith.constant 0 : i32
    %dma_wait3A_39 = tpu.memref_slice %arg4[%add3A_37, %dma_wait3A_38] : memref<320000x128xf32, #tpu.memory_space<hbm>> -> memref<40x128xf32, #tpu.memory_space<hbm>>
    %dma_wait3A_40 = arith.constant 0 : i32
    %dma_wait3A_41 = tpu.memref_slice %arg4[%add3A_37, %dma_wait3A_40] : memref<320000x128xf32, #tpu.memory_space<hbm>> -> memref<40x128xf32, #tpu.memory_space<hbm>>
    tpu.wait_dma2 semaphore(%arg31 : memref<!tpu.dma_semaphore, #tpu.memory_space<semaphore_mem>>) src(%arg11 : memref<40x128xf32, #tpu.memory_space<vmem>>) dst(%dma_wait3A_41 : memref<40x128xf32, #tpu.memory_space<hbm>>)
    %add3A_42 = arith.constant 0 : i32
    %add3A_43 = arith.addi %mul3A_2, %add3A_42 : i32
    %dma_wait3A_44 = arith.constant 0 : i32
    %dma_wait3A_45 = tpu.memref_slice %arg4[%add3A_43, %dma_wait3A_44] : memref<320000x128xf32, #tpu.memory_space<hbm>> -> memref<40x128xf32, #tpu.memory_space<hbm>>
    %dma_wait3A_46 = arith.constant 0 : i32
    %dma_wait3A_47 = tpu.memref_slice %arg4[%add3A_43, %dma_wait3A_46] : memref<320000x128xf32, #tpu.memory_space<hbm>> -> memref<40x128xf32, #tpu.memory_space<hbm>>
    tpu.wait_dma2 semaphore(%arg32 : memref<!tpu.dma_semaphore, #tpu.memory_space<semaphore_mem>>) src(%arg12 : memref<40x128xf32, #tpu.memory_space<vmem>>) dst(%dma_wait3A_47 : memref<40x128xf32, #tpu.memory_space<hbm>>)
    %add3A_48 = arith.constant 0 : i32
    %add3A_49 = arith.addi %mul3A_2, %add3A_48 : i32
    %dma_wait3A_50 = arith.constant 0 : i32
    %dma_wait3A_51 = tpu.memref_slice %arg4[%add3A_49, %dma_wait3A_50] : memref<320000x128xf32, #tpu.memory_space<hbm>> -> memref<40x128xf32, #tpu.memory_space<hbm>>
    %dma_wait3A_52 = arith.constant 0 : i32
    %dma_wait3A_53 = tpu.memref_slice %arg4[%add3A_49, %dma_wait3A_52] : memref<320000x128xf32, #tpu.memory_space<hbm>> -> memref<40x128xf32, #tpu.memory_space<hbm>>
    tpu.wait_dma2 semaphore(%arg33 : memref<!tpu.dma_semaphore, #tpu.memory_space<semaphore_mem>>) src(%arg13 : memref<40x128xf32, #tpu.memory_space<vmem>>) dst(%dma_wait3A_53 : memref<40x128xf32, #tpu.memory_space<hbm>>)
    %add3A_54 = arith.constant 0 : i32
    %add3A_55 = arith.addi %mul3A_2, %add3A_54 : i32
    %dma_wait3A_56 = arith.constant 0 : i32
    %dma_wait3A_57 = tpu.memref_slice %arg4[%add3A_55, %dma_wait3A_56] : memref<320000x128xf32, #tpu.memory_space<hbm>> -> memref<40x128xf32, #tpu.memory_space<hbm>>
    %dma_wait3A_58 = arith.constant 0 : i32
    %dma_wait3A_59 = tpu.memref_slice %arg4[%add3A_55, %dma_wait3A_58] : memref<320000x128xf32, #tpu.memory_space<hbm>> -> memref<40x128xf32, #tpu.memory_space<hbm>>
    tpu.wait_dma2 semaphore(%arg34 : memref<!tpu.dma_semaphore, #tpu.memory_space<semaphore_mem>>) src(%arg14 : memref<40x128xf32, #tpu.memory_space<vmem>>) dst(%dma_wait3A_59 : memref<40x128xf32, #tpu.memory_space<hbm>>)
    %add3A_60 = arith.constant 0 : i32
    %add3A_61 = arith.addi %mul3A_2, %add3A_60 : i32
    %dma_wait3A_62 = arith.constant 0 : i32
    %dma_wait3A_63 = tpu.memref_slice %arg4[%add3A_61, %dma_wait3A_62] : memref<320000x128xf32, #tpu.memory_space<hbm>> -> memref<40x128xf32, #tpu.memory_space<hbm>>
    %dma_wait3A_64 = arith.constant 0 : i32
    %dma_wait3A_65 = tpu.memref_slice %arg4[%add3A_61, %dma_wait3A_64] : memref<320000x128xf32, #tpu.memory_space<hbm>> -> memref<40x128xf32, #tpu.memory_space<hbm>>
    tpu.wait_dma2 semaphore(%arg35 : memref<!tpu.dma_semaphore, #tpu.memory_space<semaphore_mem>>) src(%arg15 : memref<40x128xf32, #tpu.memory_space<vmem>>) dst(%dma_wait3A_65 : memref<40x128xf32, #tpu.memory_space<hbm>>)
    %add3A_66 = arith.constant 0 : i32
    %add3A_67 = arith.addi %mul3A_2, %add3A_66 : i32
    %dma_wait3A_68 = arith.constant 0 : i32
    %dma_wait3A_69 = tpu.memref_slice %arg4[%add3A_67, %dma_wait3A_68] : memref<320000x128xf32, #tpu.memory_space<hbm>> -> memref<40x128xf32, #tpu.memory_space<hbm>>
    %dma_wait3A_70 = arith.constant 0 : i32
    %dma_wait3A_71 = tpu.memref_slice %arg4[%add3A_67, %dma_wait3A_70] : memref<320000x128xf32, #tpu.memory_space<hbm>> -> memref<40x128xf32, #tpu.memory_space<hbm>>
    tpu.wait_dma2 semaphore(%arg36 : memref<!tpu.dma_semaphore, #tpu.memory_space<semaphore_mem>>) src(%arg16 : memref<40x128xf32, #tpu.memory_space<vmem>>) dst(%dma_wait3A_71 : memref<40x128xf32, #tpu.memory_space<hbm>>)
    return
  }
}

</mosaic_0001>

<sc_bundles>
// kernel: kernel.3.cloned.1.call-start
scs
__scs_entry_jumppad:
0x0: {  	(pc) =	sbr.rel $0x88, $3  }
0x1: {  	(tag) =	ssettag $0x0;
	lr =	simm.s32 $0x1  }
0x2: {  	[smem:$0x3F9F] =	sst lr;
	_ =	strace $0xD0000000  }
0x3: {  	_ = 	snop  }
0x4: {  	_ = 	snop  }
0x5: {  	_ = 	snop  }
0x6: {  	_ = 	snop  }
0x7: {  	_ = 	snop  }
__scs_overlays_trampoline_lowered:
0x8: {  	[smem:$0x3FAE] =	sst s0  }
0x9: {  	[smem:$0x3FAF] =	sst s1  }
0xa: {  	[smem:$0x3FB0] =	sst s2  }
0xb: {  	[smem:$0x3FB1] =	sst s3  }
0xc: {  	[smem:$0x3FB2] =	sst s4  }
0xd: {  	[smem:$0x3FB3] =	sst s5  }
0xe: {  	[smem:$0x3FB4] =	sst s6  }
0xf: {  	[smem:$0x3FB5] =	sst s7  }
0x10: {  	[smem:$0x3FB6] =	sst s8  }
0x11: {  	[smem:$0x3FB7] =	sst s9;
	s0 =	simm.s32 @!p0 $0x0  }
0x12: {  	s1 =	sld [smem:$0x3F9D];
	s0 =	simm.s32 @p0 $0x1  }
0x13: {  	[smem:$0x3FB8] =	sst s0;
	s0 =	simm.s32 @!p1 $0x0  }
0x14: {  	s2 =	sld [smem:$0x3F9C];
	s0 =	simm.s32 @p1 $0x1  }
0x15: {  	[smem:$0x3FB9] =	sst s0;
	s0 =	simm.s32 @!p2 $0x0  }
0x16: {  	s3 =	sld [smem:$0x3FDB];
	s0 =	simm.s32 @p2 $0x1  }
0x17: {  	s4 =	simm.s32 $0x1BF5;
	[smem:$0x3FBB] =	sst s0  }
0x18: {  	s0 =	sld [smem:$0x3F9E];
	_ =	swait.ge [sflag:s4], $0x0  }
0x19: {  	s7 =	sld [smem:$0x3F9F]  }
0x1a: {  	s8 =	sadd.s32 $0xFFFFE003, lr  }
0x1b: {  	s9 =	sadd.s32 $0xFFFFFEF7, lr;
	s5 =	simm.s32 $0xFFFFFFFF;
	p2 =	slt.u32 s8, $0xFFFFF086  }
0x1c: {  	p1 =	slt.u32 s9, $0xF7A;
	s5 =	simm.s32 @!p2 $0x0  }
0x1d: {  	s5 =	simm.s32 @p1 $0x1;
	p0 =	seq.s32 s7, s2  }
0x1e: {  	s7 =	smul.u32 @!p0 $0xF7A, s2;
	p2 =	seq.s32 @!p0 s5, $0x0  }
0x1f: {  	s9 =	smul.u32 $0xF7A, s1;
	s8 =	simm.s32 @!p0 $0x1BF5;
	p2 =	por !p2, p0  }
0x20: {  	[sflag:s8] =	ssyncset.s32 @!p0 $0xFFFFF086;
	s6 =	sadd.s32 @!p0 s3, s7;
	s7 =	simm.s32 @!p0 $0x108  }
0x21: {  	s3 =	sadd.s32 s3, s9;
	s6 =	sadd.s32 @!p0 $0x88, s6;
	s7 =	simm.s32 @p2 $0x1082  }
0x22: {  	[simem:s7], [sflag:s8] =	dma.local @!p0 [hbm:s6], $0xF7A  }
0x23: {  	s9 =	sor.u32 $0xD0000000, s2;
	s6 =	simm.s32 $0x108;
	_ =	swait.ge @!p0 [sflag:s8], $0x0  }
0x24: {  	s3 =	sadd.s32 $0x88, s3;
	s6 =	simm.s32 @!p1 $0x1082;
	[sflag:s4] =	ssyncset.s32 $0xFFFFF086  }
0x25: {  	[simem:s6], [sflag:s4] =	dma.local [hbm:s3], $0xF7A  }
0x26: {  	[smem:$0x3F9F] =	sst s1;
	(tag) =	ssettag s2;
	_ =	strace s9  }
0x27: {  	s1 =	sld [smem:$0x3FAF]  }
0x28: {  	s2 =	sld [smem:$0x3FB0]  }
0x29: {  	s4 =	sld [smem:$0x3FB2]  }
0x2a: {  	p0 =	seq.s32 s5, $0x0;
	s5 =	sld [smem:$0x3FB3]  }
0x2b: {  	s6 =	sld [smem:$0x3FB4]  }
0x2c: {  	s7 =	sld [smem:$0x3FB5]  }
0x2d: {  	s3 =	simm.s32 $0x108;
	s8 =	sld [smem:$0x3FB6]  }
0x2e: {  	s3 =	simm.s32 @!p0 $0x1082;
	s9 =	sld [smem:$0x3FB7]  }
0x2f: {  	lr =	sadd.s32 s0, s3;
	s0 =	sld [smem:$0x3FAE]  }
0x30: {  	s3 =	sld [smem:$0x3FB1]  }
0x31: {  	[smem:$0x3FBA] =	sst s10  }
0x32: {  	s10 =	sld [smem:$0x3FB8];
	_ =	sdelay $0x3  }
0x33: {  	p0 =	seq.s32 s10, $0x1;
	s10 =	sld [smem:$0x3FBA];
	_ =	sdelay $0x3  }
0x34: {  	[smem:$0x3FBA] =	sst s10  }
0x35: {  	s10 =	sld [smem:$0x3FB9];
	_ =	sdelay $0x3  }
0x36: {  	p1 =	seq.s32 s10, $0x1;
	s10 =	sld [smem:$0x3FBA];
	_ =	sdelay $0x3  }
0x37: {  	[smem:$0x3FBA] =	sst s10  }
0x38: {  	s10 =	sld [smem:$0x3FBB]  }
0x39: {  	_ = 	snop;
	(pc) =	sbr.ind lr, $3  }
0x3a: {  	_ = 	snop  }
0x3b: {  	_ = 	snop  }
0x3c: {  	p2 =	seq.s32 s10, $0x1;
	s10 =	sld [smem:$0x3FBA]  }
0x3d: {  	_ =	shalt  }
0x3e: {  	_ =	shalt  }
0x3f: {  	_ =	shalt  }
0x40: {  	_ =	shalt  }
0x41: {  	_ =	shalt  }
0x42: {  	_ =	shalt  }
0x43: {  	_ =	shalt  }
0x44: {  	_ =	shalt  }
0x45: {  	_ =	shalt  }
0x46: {  	_ =	shalt  }
0x47: {  	_ =	shalt  }
0x48: {  	_ =	shalt  }
0x49: {  	_ =	shalt  }
0x4a: {  	_ =	shalt  }
0x4b: {  	_ =	shalt  }
0x4c: {  	_ =	shalt  }
0x4d: {  	_ =	shalt  }
0x4e: {  	_ =	shalt  }
0x4f: {  	_ =	shalt  }
0x50: {  	_ =	shalt  }
0x51: {  	_ =	shalt  }
0x52: {  	_ =	shalt  }
0x53: {  	_ =	shalt  }
0x54: {  	_ =	shalt  }
0x55: {  	_ =	shalt  }
0x56: {  	_ =	shalt  }
0x57: {  	_ =	shalt  }
0x58: {  	_ =	shalt  }
0x59: {  	_ =	shalt  }
0x5a: {  	_ =	shalt  }
0x5b: {  	_ =	shalt  }
0x5c: {  	_ =	shalt  }
0x5d: {  	_ =	shalt  }
0x5e: {  	_ =	shalt  }
0x5f: {  	_ =	shalt  }
0x60: {  	_ =	shalt  }
0x61: {  	_ =	shalt  }
0x62: {  	_ =	shalt  }
0x63: {  	_ =	shalt  }
0x64: {  	_ =	shalt  }
0x65: {  	_ =	shalt  }
0x66: {  	_ =	shalt  }
0x67: {  	_ =	shalt  }
0x68: {  	_ =	shalt  }
0x69: {  	_ =	shalt  }
0x6a: {  	_ =	shalt  }
0x6b: {  	_ =	shalt  }
0x6c: {  	_ =	shalt  }
0x6d: {  	_ =	shalt  }
0x6e: {  	_ =	shalt  }
0x6f: {  	_ =	shalt  }
0x70: {  	_ =	shalt  }
0x71: {  	_ =	shalt  }
0x72: {  	_ =	shalt  }
0x73: {  	_ =	shalt  }
0x74: {  	_ =	shalt  }
0x75: {  	_ =	shalt  }
0x76: {  	_ =	shalt  }
0x77: {  	_ =	shalt  }
0x78: {  	_ =	shalt  }
0x79: {  	_ =	shalt  }
0x7a: {  	_ =	shalt  }
0x7b: {  	_ =	shalt  }
0x7c: {  	_ =	shalt  }
0x7d: {  	_ =	shalt  }
0x7e: {  	_ =	shalt  }
0x7f: {  	_ =	shalt  }
0x80: {  	_ =	shalt  }
0x81: {  	_ =	shalt  }
0x82: {  	_ =	shalt  }
0x83: {  	_ =	shalt  }
0x84: {  	_ =	shalt  }
0x85: {  	_ =	shalt  }
0x86: {  	_ =	shalt  }
0x87: {  	_ =	shalt  }
.Lfunc_end0:
.L_simem_size_0:
called_computation_lowered:
.L_overlay_start_0:
0x88: {  	s2 =	sld [smem:$0x3FD9]  }
0x89: {  	s3 =	sld [smem:$0x3FFE];
	_ =	sdelay $0x1  }
0x8a: {  	s1 =	srdreg.scid  }
0x8b: {  	s0 =	sand.u32 $0x1, s1  }
0x8c: {  	s18 =	sshll.u32 s0, $0xA;
	s2 =	sadd.s32 s3, s2  }
0x8d: {  	s2 =	sadd.s32 s2, s18  }
0x8e: {  	[smem:$0x3FC6] =	sst s2  }
0x8f: {  	_ = 	snop  }
0x90: {  	s2 =	sld [smem:$0x3FC9]  }
0x91: {  	s19 =	sld [smem:$0x3FC8]  }
0x92: {  	s4 =	sld [smem:$0x3FD0];
	(tm) =	ssettm $0x1  }
0x93: {  	s5 =	sld [smem:$0x3FFB];
	_ =	sdelay $0x3  }
0x94: {  	_ =	strace s5  }
0x95: {  	s5 =	sld [smem:$0x3FFC];
	_ =	sdelay $0x3  }
0x96: {  	_ =	strace s5  }
0x97: {  	s5 =	sld [smem:$0x3FFD];
	_ =	sdelay $0x3  }
0x98: {  	_ =	strace s5  }
0x99: {  	_ =	strace $0x8FFFFFFF  }
0x9a: {  	s20 =	sld [smem:$0x3FDB];
	_ =	sdelay $0x1  }
0x9b: {  	s6 =	simm.s32 $_scs_section_size  }
0x9c: {  	s7 =	simm.s32 $_size__tile_overlayer_lowered;
	s8 =	simm.s32 $_tile_overlayer_lowered  }
0x9d: {  	s23 =	simm.s32 $0x1BFF;
	s22 =	sshll.u32 s8, $0x1;
	s5 =	sadd.s32 s6, s20  }
0x9e: {  	s9 =	simm.s32 $0x0;
	s21 =	sshll.u32 s7, $0x1;
	s7 =	sadd.s32 s22, s5  }
0x9f: {  	[timem:s9], [sflag:s23] =	dma.local [hbm:s7], s21  }
0xa0: {  	_ =	swait.ge [sflag:s23], s21  }
0xa1: {  	s6 =	ssub.s32 $0x0, s21;
	[sflag:s23] =	ssyncset.done $0x0  }
0xa2: {  	[sflag:s23] =	ssyncadd.s32 s6;
	_ =	sdelay $0x1  }
0xa3: {  	s24 =	simm.s32 $0x1B8B  }
0xa4: {  	_ =	swait.ge [sflag:s24], $0x1  }
0xa5: {  	[sflag:s24] =	ssyncset.done $0x0  }
0xa6: {  	s25 =	simm.s32 $0x1B8E;
	[sflag:s24] =	ssyncadd.s32 $0xFFFFFFFF  }
0xa7: {  	s26 =	simm.s32 $execute0_lowered;
	[smem:$0x3FD2] =	sst s25  }
0xa8: {  	s6 =	sshll.u32 s26, $0x1;
	_ =	strace $0x80000046;
	[dreg:$0x1] =	wrdreg $0xFFFFFFFF  }
0xa9: {  	s28 =	simm.s32 $_size_execute0_lowered;
	s5 =	sadd.s32 s5, s6;
	[dreg:$0x0] =	wrdreg $0x0  }
0xaa: {  	s6 =	sshll.u32 s28, $0x1;
	[dreg:$0x2] =	wrdreg s5  }
0xab: {  	[dreg:$0x3] =	wrdreg s6  }
0xac: {  	[dreg:$0x4] =	wrdreg $0xC0  }
0xad: {  	_ =	task [dreg:s9], $0x5FFFF  }
0xae: {  	[dreg:$0x1] =	wrdreg $0xFFFFFFFF  }
0xaf: {  	[dreg:$0x0] =	wrdreg $0x60  }
0xb0: {  	[dreg:$0x2] =	wrdreg s2  }
0xb1: {  	[dreg:$0x3] =	wrdreg s19  }
0xb2: {  	[dreg:$0x4] =	wrdreg s4  }
0xb3: {  	[dreg:$0x5] =	wrdreg $0x27800  }
0xb4: {  	[dreg:$0x6] =	wrdreg $0x9  }
0xb5: {  	_ =	task.clear_ibuf [dreg:s9], $0x7FFFF;
	_ =	strace $0x90000046  }
0xb6: {  	s29 =	simm.s32 $0x9;
	_ =	strace $0x80000048  }
0xb7: {  	_ =	swait.ge [sflag:s29], $0x1  }
0xb8: {  	[sflag:s29] =	ssyncadd.s32 $0xFFFFFFFF  }
0xb9: {  	_ =	strace $0x90000048  }
0xba: {  	_ =	sfence  }
0xbb: {  	s30 =	sld [smem:$0x0];
	_ =	sdelay $0x2  }
0xbc: {  	s31 =	sshll.u32 s1, $0xD;
	s1 =	sshrl.u32 s1, $0x2  }
0xbd: {  	s3 =	sand.u32 $0x4000, s31;
	s1 =	sadd.s32 s1, s30  }
0xbe: {  	s0 =	sor.u32 s3, s0;
	s1 =	sshll.u32 s1, $0x11  }
0xbf: {  	s0 =	sor.u32 s1, s0  }
0xc0: {  	s0 =	sadd.s32 $0x8F2B, s0  }
0xc1: {  	[sflag:s0] =	ssyncadd.remote.s32 $0x1  }
0xc2: {  	_ =	sfence.sel $0xFFFF  }
0xc3: {  	[dreg:$0x0] =	wrdreg $0xFFFFFFFF;
	(pc) =	sbr.abs _section_cstart, $3  }
0xc4: {  	[dreg:$0x1] =	wrdreg $0xFFFFFFFF  }
0xc5: {  	_ =	task.clear_ibuf [dreg:s9], $0x2FFFF;
	_ =	strace $0x9FFFFFFF  }
0xc6: {  	(tm) =	ssettm $0x7FFFFFFF  }
0xc7: {  	_ =	shalt  }
tec
execute0_lowered:
.L_overlay_start_1:
0x0: {  	(tag) =	ssettag $0x1  }
0x1: {  	s0 =	rddreg [dreg:$0x0]  }
0x2: {  	s1 =	rddreg [dreg:$0x2]  }
0x3: {  	s2 =	srdreg.scid;
	s6 =	stileid.u32  }
0x4: {  	s3 =	rddreg [dreg:$0x3];
	s4 =	simm.s32 $0x0;
	s10 =	simm.s32 $0x3EA0  }
0x5: {  	s11 =	simm.s32 $0x52A0;
	s12 =	simm.s32 $0x66A0;
	s13 =	simm.s32 $0x7AA0  }
0x6: {  	s14 =	simm.s32 $0x8EA0;
	s15 =	simm.s32 $0xA2A0;
	s16 =	simm.s32 $0xB6A0  }
0x7: {  	s18 =	simm.s32 $0xCAA0;
	s19 =	simm.s32 $0x28;
	s29 =	simm.s32 $0x8  }
0x8: {  	s30 =	simm.s32 $0x9;
	s2 =	sand.u32 $0x1, s2;
	s5 =	sshll.u32 s6, $0x1  }
0x9: {  	s31 =	simm.s32 $0xA;
	s5 =	sor.u32 s2, s5;
	s2 =	ssub.s32 $0x2, s2  }
0xa: {  	s28 =	simm.s32 $0x1;
	s5 =	smul.u32 $0x2710, s5;
	s7 =	sshrl.u32 s2, $0x1  }
.Ltmp0:
0xb: {  	[smem:$0x7FF] =	sst s4;
	s2 =	ssub.s32 s2, s7;
	(pc) =	sbr.rel .LBB2_1-.Ltmp0, $4  }
0xc: {  	p0 =	sne.s32 s6, $0x0;
	s25 =	sshrl.u32 s5, $0x3;
	s26 =	smax.u32 s2, $0x1  }
0xd: {  	_ =	strace $0x80000047;
	s0 =	sadd.s32 s0, s25;
	[dreg:$0x6] =	wrdreg s26  }
0xe: {  	s6 =	simm.s32 $0x0;
	[dreg:$0x5] =	wrdreg s0;
	s0 =	sshrl.u32 @!p0 s3, $0x3  }
0xf: {  	s7 =	simm.s32 $0x2AA0;
	s26 =	simm.s32 $0xDEA0;
	[dreg:$0x7] =	wrdreg s0  }
.LBB2_6:
0x10: {  	s0 =	simm.s32 $0xB  }
0x11: {  	_ =	swait.ge [sflag:s0], $0x1400  }
0x12: {  	[sflag:s0] =	ssyncset.done $0x0  }
0x13: {  	s8 =	simm.s32 $0xC;
	[sflag:s0] =	ssyncadd.s32 $0xFFFFEC00  }
0x14: {  	_ =	swait.ge [sflag:s8], $0x1400  }
0x15: {  	[sflag:s8] =	ssyncset.done $0x0  }
0x16: {  	s9 =	simm.s32 $0xD;
	[sflag:s8] =	ssyncadd.s32 $0xFFFFEC00  }
0x17: {  	_ =	swait.ge [sflag:s9], $0x1400  }
0x18: {  	[sflag:s9] =	ssyncset.done $0x0  }
0x19: {  	s17 =	simm.s32 $0xE;
	[sflag:s9] =	ssyncadd.s32 $0xFFFFEC00  }
0x1a: {  	_ =	swait.ge [sflag:s17], $0x1400  }
0x1b: {  	[sflag:s17] =	ssyncset.done $0x0  }
0x1c: {  	s20 =	simm.s32 $0xF;
	[sflag:s17] =	ssyncadd.s32 $0xFFFFEC00  }
0x1d: {  	_ =	swait.ge [sflag:s20], $0x1400  }
0x1e: {  	[sflag:s20] =	ssyncset.done $0x0  }
0x1f: {  	s21 =	simm.s32 $0x10;
	[sflag:s20] =	ssyncadd.s32 $0xFFFFEC00  }
0x20: {  	_ =	swait.ge [sflag:s21], $0x1400  }
0x21: {  	[sflag:s21] =	ssyncset.done $0x0  }
0x22: {  	s22 =	simm.s32 $0x11;
	[sflag:s21] =	ssyncadd.s32 $0xFFFFEC00  }
0x23: {  	_ =	swait.ge [sflag:s22], $0x1400  }
0x24: {  	[sflag:s22] =	ssyncset.done $0x0  }
0x25: {  	s23 =	simm.s32 $0x12;
	[sflag:s22] =	ssyncadd.s32 $0xFFFFEC00  }
0x26: {  	_ =	swait.ge [sflag:s23], $0x1400  }
0x27: {  	[sflag:s23] =	ssyncset.done $0x0  }
0x28: {  	s24 =	simm.s32 $0x13;
	[sflag:s23] =	ssyncadd.s32 $0xFFFFEC00  }
0x29: {  	_ =	swait.ge [sflag:s24], $0x1400  }
0x2a: {  	[sflag:s24] =	ssyncset.done $0x0  }
0x2b: {  	s2 =	simm.s32 $0x14;
	[sflag:s24] =	ssyncadd.s32 $0xFFFFEC00  }
0x2c: {  	_ =	swait.ge [sflag:s2], $0x1400  }
0x2d: {  	s6 =	rddreg [dreg:$0x8]  }
0x2e: {  	s25 =	rddreg [dreg:$0x6];
	s6 =	sadd.s32 $0x1, s6  }
0x2f: {  	p1 =	sne.s32 s6, s25  }
.Ltmp1:
0x30: {  	_ = 	snop;
	(pc) =	sbr.rel @!p1 .LBB2_7-.Ltmp1, $3  }
0x31: {  	_ =	sdelay $0x1  }
0x32: {  	[sflag:s2] =	ssyncset.done $0x0  }
0x33: {  	[sflag:s2] =	ssyncadd.s32 $0xFFFFEC00  }
.LBB2_1:
0x34: {  	[dreg:$0x8] =	wrdreg s6  }
0x35: {  	s0 =	rddreg [dreg:$0x5]  }
0x36: {  	s2 =	rddreg [dreg:$0x1]  }
0x37: {  	[tilespmem:s4], [sflag:$0x15] =	stream.linear.gather [hbm4b:s0+s4], $0x2710, $0x38;
	[tilespmem:$0xF2A0] =	vst v63  }
0x38: {  	s6 =	rddreg [dreg:$0x7];
	s0 =	simm.s32 @!p0 $0x1C16  }
0x39: {  	[spmem:s6], [sflag:s0] =	dma.local @!p0 [hbm:s2], $0x640  }
0x3a: {  	s0 =	simm.s32 @!p0 $0x16  }
0x3b: {  	_ =	swait.ge @!p0 [sflag:s0], $0x640  }
0x3c: {  	[sflag:s0] =	ssyncset.done @!p0 $0x0  }
0x3d: {  	s25 =	simm.s32 $0x15;
	[sflag:s0] =	ssyncadd.s32 @!p0 $0xFFFFF9C0  }
.Ltmp2:
0x3e: {  	_ =	swait.ge [sflag:s25], $0x2710;
	(pc) =	sbr.rel .LBB2_2-.Ltmp2, $4  }
0x3f: {  	[sflag:s25] =	ssyncset.done $0x0  }
0x40: {  	[sflag:s25] =	ssyncadd.s32 $0xFFFFD8F0  }
0x41: {  	[bflag:$0x0] =	sbarrier.arrive $0xFFFF  }
0x42: {  	s8 =	simm.s32 $0x140;
	s9 =	simm.s32 $0x140  }
.LBB2_4:
0x43: {  	s0 =	simm.s32 $0xB  }
0x44: {  	_ =	swait.ge [sflag:s0], $0x1400  }
0x45: {  	[sflag:s0] =	ssyncset.done $0x0  }
0x46: {  	s23 =	sadd.s32 $0xFFFFFEC0, s9;
	s24 =	simm.s32 $0xC;
	[sflag:s0] =	ssyncadd.s32 $0xFFFFEC00  }
0x47: {  	[tilespmem:s7], [sflag:$0x1] =	stream.indirect.gather [spmem:s3], $0x80, s23, s19, $0xb8;
	[tilespmem:$0xF2A0] =	vst v63  }
0x48: {  	_ =	swait.ge [sflag:s24], $0x1400  }
0x49: {  	[sflag:s24] =	ssyncset.done $0x0  }
0x4a: {  	s25 =	sadd.s32 $0xFFFFFEE8, s9;
	s2 =	simm.s32 $0xD;
	[sflag:s24] =	ssyncadd.s32 $0xFFFFEC00  }
0x4b: {  	[tilespmem:s10], [sflag:$0x2] =	stream.indirect.gather [spmem:s3], $0x80, s25, s19, $0xb8;
	[tilespmem:$0xF2A0] =	vst v63  }
0x4c: {  	_ =	swait.ge [sflag:s2], $0x1400  }
0x4d: {  	[sflag:s2] =	ssyncset.done $0x0  }
0x4e: {  	s6 =	sadd.s32 $0xFFFFFF10, s9;
	s7 =	simm.s32 $0xE;
	[sflag:s2] =	ssyncadd.s32 $0xFFFFEC00  }
0x4f: {  	[tilespmem:s11], [sflag:$0x3] =	stream.indirect.gather [spmem:s3], $0x80, s6, s19, $0xb8;
	[tilespmem:$0xF2A0] =	vst v63  }
0x50: {  	_ =	swait.ge [sflag:s7], $0x1400  }
0x51: {  	[sflag:s7] =	ssyncset.done $0x0  }
0x52: {  	s10 =	sadd.s32 $0xFFFFFF38, s9;
	s11 =	simm.s32 $0xF;
	[sflag:s7] =	ssyncadd.s32 $0xFFFFEC00  }
0x53: {  	[tilespmem:s12], [sflag:$0x4] =	stream.indirect.gather [spmem:s3], $0x80, s10, s19, $0xb8;
	[tilespmem:$0xF2A0] =	vst v63  }
0x54: {  	_ =	swait.ge [sflag:s11], $0x1400  }
0x55: {  	[sflag:s11] =	ssyncset.done $0x0  }
0x56: {  	s17 =	simm.s32 $0x10;
	s12 =	sadd.s32 $0xFFFFFF60, s9;
	[sflag:s11] =	ssyncadd.s32 $0xFFFFEC00  }
0x57: {  	[tilespmem:s13], [sflag:$0x5] =	stream.indirect.gather [spmem:s3], $0x80, s12, s19, $0xb8;
	[tilespmem:$0xF2A0] =	vst v63  }
0x58: {  	_ =	swait.ge [sflag:s17], $0x1400  }
0x59: {  	[sflag:s17] =	ssyncset.done $0x0  }
0x5a: {  	s20 =	sadd.s32 $0xFFFFFF88, s9;
	s21 =	simm.s32 $0x11;
	[sflag:s17] =	ssyncadd.s32 $0xFFFFEC00  }
0x5b: {  	[tilespmem:s14], [sflag:$0x6] =	stream.indirect.gather [spmem:s3], $0x80, s20, s19, $0xb8;
	[tilespmem:$0xF2A0] =	vst v63  }
0x5c: {  	s22 =	sadd.s32 $0xFFFFFFB0, s9;
	_ =	swait.ge [sflag:s21], $0x1400  }
0x5d: {  	s0 =	smov.u32 s8;
	s23 =	simm.s32 $0x12;
	[sflag:s21] =	ssyncset.done $0x0  }
0x5e: {  	s24 =	sadd.s32 $0xFFFFFFD8, s9;
	s25 =	simm.s32 $0x13;
	[sflag:s21] =	ssyncadd.s32 $0xFFFFEC00  }
0x5f: {  	[tilespmem:s15], [sflag:$0x7] =	stream.indirect.gather [spmem:s3], $0x80, s22, s19, $0xb8;
	[tilespmem:$0xF2A0] =	vst v63  }
0x60: {  	s2 =	simm.s32 $0x14;
	s6 =	sadd.s32 $0xFFFFFFD8, s8;
	_ =	swait.ge [sflag:s23], $0x1400  }
0x61: {  	s7 =	sadd.s32 $0xFFFFFFB0, s8;
	s10 =	sadd.s32 $0xFFFFFF88, s8;
	[sflag:s23] =	ssyncset.done $0x0  }
0x62: {  	s11 =	sadd.s32 $0xFFFFFF60, s8;
	s13 =	sadd.s32 $0xFFFFFF10, s8;
	[sflag:s23] =	ssyncadd.s32 $0xFFFFEC00  }
0x63: {  	[tilespmem:s16], [sflag:$0x8] =	stream.indirect.gather [spmem:s3], $0x80, s24, s19, $0xb8;
	[tilespmem:$0xF2A0] =	vst v63  }
0x64: {  	s12 =	sadd.s32 $0xFFFFFF38, s8;
	s17 =	simm.s32 $0x3EA0;
	_ =	swait.ge [sflag:s25], $0x1400  }
0x65: {  	s14 =	sadd.s32 $0xFFFFFEE8, s8;
	s20 =	simm.s32 $0x66A0;
	[sflag:s25] =	ssyncset.done $0x0  }
0x66: {  	s21 =	simm.s32 $0x7AA0;
	s15 =	sadd.s32 $0xFFFFFEC0, s8;
	[sflag:s25] =	ssyncadd.s32 $0xFFFFEC00  }
0x67: {  	[tilespmem:s18], [sflag:$0x9] =	stream.indirect.gather [spmem:s3], $0x80, s9, s19, $0xb8;
	[tilespmem:$0xF2A0] =	vst v63  }
0x68: {  	s22 =	simm.s32 $0x8EA0;
	s23 =	simm.s32 $0xA2A0;
	_ =	swait.ge [sflag:s2], $0x1400  }
0x69: {  	s24 =	simm.s32 $0xB6A0;
	s16 =	simm.s32 $0x2AA0;
	[sflag:s2] =	ssyncset.done $0x0  }
0x6a: {  	s25 =	simm.s32 $0xCAA0;
	s18 =	simm.s32 $0x52A0;
	[sflag:s2] =	ssyncadd.s32 $0xFFFFEC00  }
.LBB2_5:
0x6b: {  	s2 =	sadd.s32 $0x168, s15  }
0x6c: {  	[tilespmem:s26], [sflag:$0xA] =	stream.indirect.gather [spmem:s3], $0x80, s2, s19, $0xb8;
	[tilespmem:$0xF2A0] =	vst v63  }
0x6d: {  	s15 =	sadd.s32 s5, s15;
	_ =	swait.ge [sflag:s28], $0x1400  }
0x6e: {  	s15 =	sshll.u32 s15, $0x4;
	[sflag:s28] =	ssyncset.done $0x0  }
0x6f: {  	s15 =	sadd.s32 s1, s15;
	[sflag:s28] =	ssyncadd.s32 $0xFFFFEC00  }
0x70: {  	[hbm4b:s15+s4] =	stream.linear.scatter [tilespmem:s16], [sflag:$0xB], $0x1400, $0x38;
	[tilespmem:$0xF2A0] =	vst v63  }
0x71: {  	s16 =	simm.s32 $0x2  }
0x72: {  	s14 =	sadd.s32 s5, s14;
	_ =	swait.ge [sflag:s16], $0x1400  }
0x73: {  	s14 =	sshll.u32 s14, $0x4;
	[sflag:s16] =	ssyncset.done $0x0  }
0x74: {  	s14 =	sadd.s32 s1, s14;
	[sflag:s16] =	ssyncadd.s32 $0xFFFFEC00  }
0x75: {  	[hbm4b:s14+s4] =	stream.linear.scatter [tilespmem:s17], [sflag:$0xC], $0x1400, $0x38;
	[tilespmem:$0xF2A0] =	vst v63  }
0x76: {  	s17 =	simm.s32 $0x3  }
0x77: {  	s13 =	sadd.s32 s5, s13;
	_ =	swait.ge [sflag:s17], $0x1400  }
0x78: {  	s13 =	sshll.u32 s13, $0x4;
	[sflag:s17] =	ssyncset.done $0x0  }
0x79: {  	s13 =	sadd.s32 s1, s13;
	[sflag:s17] =	ssyncadd.s32 $0xFFFFEC00  }
0x7a: {  	[hbm4b:s13+s4] =	stream.linear.scatter [tilespmem:s18], [sflag:$0xD], $0x1400, $0x38;
	[tilespmem:$0xF2A0] =	vst v63  }
0x7b: {  	s18 =	simm.s32 $0x4  }
0x7c: {  	s12 =	sadd.s32 s5, s12;
	_ =	swait.ge [sflag:s18], $0x1400  }
0x7d: {  	s12 =	sshll.u32 s12, $0x4;
	[sflag:s18] =	ssyncset.done $0x0  }
0x7e: {  	s12 =	sadd.s32 s1, s12;
	[sflag:s18] =	ssyncadd.s32 $0xFFFFEC00  }
0x7f: {  	[hbm4b:s12+s4] =	stream.linear.scatter [tilespmem:s20], [sflag:$0xE], $0x1400, $0x38;
	[tilespmem:$0xF2A0] =	vst v63  }
0x80: {  	s20 =	simm.s32 $0x5  }
0x81: {  	s11 =	sadd.s32 s5, s11;
	_ =	swait.ge [sflag:s20], $0x1400  }
0x82: {  	s11 =	sshll.u32 s11, $0x4;
	[sflag:s20] =	ssyncset.done $0x0  }
0x83: {  	s11 =	sadd.s32 s1, s11;
	[sflag:s20] =	ssyncadd.s32 $0xFFFFEC00  }
0x84: {  	[hbm4b:s11+s4] =	stream.linear.scatter [tilespmem:s21], [sflag:$0xF], $0x1400, $0x38;
	[tilespmem:$0xF2A0] =	vst v63  }
0x85: {  	s21 =	simm.s32 $0x6  }
0x86: {  	s10 =	sadd.s32 s5, s10;
	_ =	swait.ge [sflag:s21], $0x1400  }
0x87: {  	s10 =	sshll.u32 s10, $0x4;
	[sflag:s21] =	ssyncset.done $0x0  }
0x88: {  	s10 =	sadd.s32 s1, s10;
	[sflag:s21] =	ssyncadd.s32 $0xFFFFEC00  }
0x89: {  	[hbm4b:s10+s4] =	stream.linear.scatter [tilespmem:s22], [sflag:$0x10], $0x1400, $0x38;
	[tilespmem:$0xF2A0] =	vst v63  }
0x8a: {  	s22 =	simm.s32 $0x7  }
0x8b: {  	s7 =	sadd.s32 s5, s7;
	_ =	swait.ge [sflag:s22], $0x1400  }
0x8c: {  	s7 =	sshll.u32 s7, $0x4;
	[sflag:s22] =	ssyncset.done $0x0  }
0x8d: {  	s6 =	sadd.s32 s5, s6;
	s7 =	sadd.s32 s1, s7;
	[sflag:s22] =	ssyncadd.s32 $0xFFFFEC00  }
0x8e: {  	[hbm4b:s7+s4] =	stream.linear.scatter [tilespmem:s23], [sflag:$0x11], $0x1400, $0x38;
	[tilespmem:$0xF2A0] =	vst v63  }
0x8f: {  	s0 =	sadd.s32 s5, s0;
	s8 =	sadd.s32 $0x190, s8;
	_ =	swait.ge [sflag:s29], $0x1400  }
0x90: {  	s9 =	sadd.s32 $0x190, s9;
	s6 =	sshll.u32 s6, $0x4;
	[sflag:s29] =	ssyncset.done $0x0  }
0x91: {  	s0 =	sshll.u32 s0, $0x4;
	s6 =	sadd.s32 s1, s6;
	[sflag:s29] =	ssyncadd.s32 $0xFFFFEC00  }
0x92: {  	[hbm4b:s6+s4] =	stream.linear.scatter [tilespmem:s24], [sflag:$0x12], $0x1400, $0x38;
	[tilespmem:$0xF2A0] =	vst v63  }
0x93: {  	p1 =	sne.s32 s8, $0x2850;
	s0 =	sadd.s32 s1, s0;
	_ =	swait.ge [sflag:s30], $0x1400  }
0x94: {  	s15 =	simm.s32 $0xA2A0;
	s16 =	simm.s32 $0xB6A0;
	[sflag:s30] =	ssyncset.done $0x0  }
0x95: {  	s14 =	simm.s32 $0x8EA0;
	s13 =	simm.s32 $0x7AA0;
	[sflag:s30] =	ssyncadd.s32 $0xFFFFEC00  }
0x96: {  	[hbm4b:s0+s4] =	stream.linear.scatter [tilespmem:s25], [sflag:$0x13], $0x1400, $0x38;
	[tilespmem:$0xF2A0] =	vst v63  }
.Ltmp3:
0x97: {  	s18 =	simm.s32 $0xCAA0;
	s12 =	simm.s32 $0x66A0;
	(pc) =	sbr.rel @!p1 .LBB2_6-.Ltmp3, $4  }
0x98: {  	s11 =	simm.s32 $0x52A0;
	s25 =	sadd.s32 s5, s2;
	_ =	swait.ge [sflag:s31], $0x1400  }
0x99: {  	s10 =	simm.s32 $0x3EA0;
	s0 =	sshll.u32 s25, $0x4;
	[sflag:s31] =	ssyncset.done $0x0  }
0x9a: {  	s7 =	simm.s32 $0x2AA0;
	s0 =	sadd.s32 s1, s0;
	[sflag:s31] =	ssyncadd.s32 $0xFFFFEC00  }
0x9b: {  	[hbm4b:s0+s4] =	stream.linear.scatter [tilespmem:s26], [sflag:$0x14], $0x1400, $0x38;
	[tilespmem:$0xF2A0] =	vst v63  }
.LBB2_2:
0x9c: {  	p1 =	sne.s32 s8, $0x140  }
.Ltmp4:
0x9d: {  	_ = 	snop;
	(pc) =	sbr.rel @p1 .LBB2_4-.Ltmp4, $1  }
0x9e: {  	_ =	sdelay $0x3  }
0x9f: {  	s14 =	simm.s32 $0x28;
	s16 =	simm.s32 $0x2AA0;
	s15 =	simm.s32 $0x0  }
0xa0: {  	[tilespmem:s16], [sflag:$0x1] =	stream.indirect.gather [spmem:s3], $0x80, s15, s14, $0xb8;
	[tilespmem:$0xF2A0] =	vst v63  }
0xa1: {  	s17 =	simm.s32 $0x3EA0  }
0xa2: {  	[tilespmem:s17], [sflag:$0x2] =	stream.indirect.gather [spmem:s3], $0x80, s14, s14, $0xb8;
	[tilespmem:$0xF2A0] =	vst v63  }
0xa3: {  	s18 =	simm.s32 $0x52A0;
	s13 =	simm.s32 $0x50  }
0xa4: {  	[tilespmem:s18], [sflag:$0x3] =	stream.indirect.gather [spmem:s3], $0x80, s13, s14, $0xb8;
	[tilespmem:$0xF2A0] =	vst v63  }
0xa5: {  	s20 =	simm.s32 $0x66A0;
	s12 =	simm.s32 $0x78  }
0xa6: {  	[tilespmem:s20], [sflag:$0x4] =	stream.indirect.gather [spmem:s3], $0x80, s12, s14, $0xb8;
	[tilespmem:$0xF2A0] =	vst v63  }
0xa7: {  	s21 =	simm.s32 $0x7AA0;
	s11 =	simm.s32 $0xA0  }
0xa8: {  	[tilespmem:s21], [sflag:$0x5] =	stream.indirect.gather [spmem:s3], $0x80, s11, s14, $0xb8;
	[tilespmem:$0xF2A0] =	vst v63  }
0xa9: {  	s22 =	simm.s32 $0x8EA0;
	s10 =	simm.s32 $0xC8  }
0xaa: {  	[tilespmem:s22], [sflag:$0x6] =	stream.indirect.gather [spmem:s3], $0x80, s10, s14, $0xb8;
	[tilespmem:$0xF2A0] =	vst v63  }
0xab: {  	s23 =	simm.s32 $0xA2A0;
	s7 =	simm.s32 $0xF0  }
0xac: {  	[tilespmem:s23], [sflag:$0x7] =	stream.indirect.gather [spmem:s3], $0x80, s7, s14, $0xb8;
	[tilespmem:$0xF2A0] =	vst v63  }
.Ltmp5:
0xad: {  	_ = 	snop;
	(pc) =	sbr.rel .LBB2_5-.Ltmp5, $4  }
0xae: {  	s24 =	simm.s32 $0xB6A0;
	s6 =	simm.s32 $0x118  }
0xaf: {  	[tilespmem:s24], [sflag:$0x8] =	stream.indirect.gather [spmem:s3], $0x80, s6, s14, $0xb8;
	[tilespmem:$0xF2A0] =	vst v63  }
0xb0: {  	s25 =	simm.s32 $0xCAA0;
	s0 =	simm.s32 $0x140  }
0xb1: {  	[tilespmem:s25], [sflag:$0x9] =	stream.indirect.gather [spmem:s3], $0x80, s0, s14, $0xb8;
	[tilespmem:$0xF2A0] =	vst v63  }
.LBB2_7:
0xb2: {  	_ =	sfence.sel $0x180000  }
0xb3: {  	[bflag:$0x0] =	sbarrier.arrive $0xFFFF  }
0xb4: {  	_ =	strace $0x90000047  }
0xb5: {  	[bflag:$0x2] =	sbarrier.arrive $0xFFFF  }
0xb6: {  	s0 =	rddreg [dreg:$0x4]  }
0xb7: {  	s0 =	sadd.s32 @!p0 $0x100000, s0  }
0xb8: {  	[sflag:s0] =	ssyncadd.tile.s32 @!p0 $0x1;
	_ =	shalt  }
.Lfunc_end2:
_tile_overlayer_lowered:
.L_overlay_start_2:
0xb9: {  	(tag) =	ssettag $0x2  }
0xba: {  	s0 =	rddreg [dreg:$0x0];
	s2 =	stileid.u32  }
0xbb: {  	s1 =	rddreg [dreg:$0x1];
	p0 =	sne.s32 s2, $0x0  }
0xbc: {  	s3 =	rddreg [dreg:$0x2];
	[bflag:$0x3] =	sbarrier.arrive $0xFFFF;
	s2 =	simm.s32 @!p0 $0x1C16  }
0xbd: {  	[timem:s3], [sflag:s2] =	dma.local @!p0 [hbm:s0], s1  }
0xbe: {  	s0 =	simm.s32 @!p0 $0x16  }
0xbf: {  	_ =	swait.ge @!p0 [sflag:s0], s1  }
0xc0: {  	s1 =	ssub.s32 @!p0 $0x0, s1;
	[sflag:s0] =	ssyncset.done @!p0 $0x0  }
0xc1: {  	[sflag:s0] =	ssyncadd.s32 @!p0 s1  }
0xc2: {  	[bflag:$0x3] =	sbarrier.arrive $0xFFFF  }
0xc3: {  	_ =	shalt  }

</sc_bundles>
